<compile_context>
chip_gen: v7x
topology: tpu7x:2x2x1
jax: 0.10.2.dev20260603
libtpu: 0.0.44.dev20260713+nightly
codegen_flags: <defaults>
</compile_context>

<pallas_src>
import functools

import jax
import jax.numpy as jnp
from jax import lax
from jax.experimental import pallas as pl
from jax.experimental.pallas import tpu as pltpu
from jax.experimental.pallas import tpu_sc as plsc

_SC_NC, _SC_NS = 2, 16
_NW = _SC_NC * _SC_NS
_TPW = 4096 // _NW
_CH = 16

_B, _D, _P, _C = 4096, 2048, 16, 128
_C2 = 2 * _C
_T = 128
_BPAD = _B + _P * _T
_NT = _BPAD // _T
_NTPAD = 64
_TB1 = 1024


def _parent_route_body(x_ref, wp_ref, bp_ref, logits_ref, pos_ref, grp_ref,
                       pc_acc):
    i = pl.program_id(0)
    xb = x_ref[...].astype(jnp.bfloat16)
    logits = lax.dot_general(
        xb, wp_ref[...].astype(jnp.bfloat16), (((1,), (1,)), ((), ())),
        preferred_element_type=jnp.float32) + bp_ref[...]
    logits_ref[...] = logits
    pc_acc[pl.ds(i * _TB1, _TB1), :] = jnp.argmax(
        logits, axis=1, keepdims=True).astype(jnp.int32)

    @pl.when(i == _B // _TB1 - 1)
    def _route():
        _route_math(pc_acc[...], pos_ref, grp_ref)


def _route_math(pcc, pos_ref, grp_ref):
    oh = (pcc == lax.broadcasted_iota(jnp.int32, (_B, _P), 1)
          ).astype(jnp.float32)
    a = oh
    s = 1
    while s < _B:
        a = a + jnp.concatenate(
            [jnp.zeros((s, _P), jnp.float32), a[:-s]], axis=0)
        s *= 2
    ones_col = jnp.ones((_B, 1), jnp.float32)
    counts_col = lax.dot_general(oh, ones_col, (((0,), (0,)), ((), ())))
    capt_col = jnp.floor((counts_col + (_T - 1)) * (1.0 / _T))
    r16 = lax.broadcasted_iota(jnp.int32, (_P, _P), 0)
    c16 = lax.broadcasted_iota(jnp.int32, (_P, _P), 1)
    lstrict = (c16 < r16).astype(jnp.float32)
    tb_col = lax.dot_general(lstrict, capt_col, (((1,), (0,)), ((), ())))
    base_col = tb_col * _T
    rank = jnp.sum(a * oh, axis=1, keepdims=True) - 1.0
    pos_base = lax.dot_general(oh, base_col, (((1,), (0,)), ((), ())))
    pos_ref[...] = (pos_base + rank).astype(jnp.int32)
    used_t = jnp.sum(capt_col)
    t_row = lax.broadcasted_iota(jnp.int32, (_P, _NTPAD), 1
                                 ).astype(jnp.float32)
    cmp = (tb_col <= t_row).astype(jnp.float32)
    grp_row = jnp.sum(cmp, axis=0, keepdims=True) - 1.0
    active = t_row[0:1] < used_t
    grp_ref[...] = jnp.where(active, grp_row, -1.0).astype(jnp.int32)


_NBUF = 3


def _sc_scatter_body(x_hbm, pos_hbm, xs_hbm, idxbuf, buf_a, buf_b, buf_c,
                     sem_i0, sem_i1, sem_i2, sem_o0, sem_o1, sem_o2):
    wid = lax.axis_index("s") * _SC_NC + lax.axis_index("c")
    base = wid * _TPW
    pltpu.sync_copy(pos_hbm.at[pl.ds(base, _TPW)], idxbuf)
    nch = _TPW // _CH
    bufs = (buf_a, buf_b, buf_c)
    isems = (sem_i0, sem_i1, sem_i2)
    osems = (sem_o0, sem_o1, sem_o2)

    def load(c):
        return pltpu.async_copy(
            x_hbm.at[pl.ds(base + c * _CH, _CH)], bufs[c % _NBUF],
            isems[c % _NBUF])

    def scat(c):
        return pltpu.async_copy(
            bufs[c % _NBUF], xs_hbm.at[idxbuf[pl.ds(c * _CH, _CH)]],
            osems[c % _NBUF])

    loads = {}
    scats = {}
    waited = set()
    for c in range(min(_NBUF, nch)):
        loads[c] = load(c)
    for c in range(nch):
        nxt = c - 1 + _NBUF
        if c >= 1 and nxt < nch:
            scats[c - 1].wait()
            waited.add(c - 1)
            loads[nxt] = load(nxt)
        loads[c].wait()
        scats[c] = scat(c)
    for c in range(nch):
        if c not in waited:
            scats[c].wait()


def _sc_gather_body(op_hbm, pos_hbm, c0_hbm, c1_hbm, idxv, rows, sem):
    wid = lax.axis_index("s") * _SC_NC + lax.axis_index("c")
    base = wid * _TPW
    pltpu.sync_copy(pos_hbm.at[pl.ds(base, _TPW)], idxv)
    pltpu.async_copy(op_hbm.at[idxv], rows, sem).wait()
    pltpu.sync_copy(rows.at[:, pl.ds(0, _C)], c0_hbm.at[pl.ds(base, _TPW)])
    pltpu.sync_copy(rows.at[:, pl.ds(_C, _C)], c1_hbm.at[pl.ds(base, _TPW)])


def _gmm_body(grp_ref, xs_ref, w0_ref, b0_ref, w1_ref, b1_ref, out_ref):
    t = pl.program_id(0)

    @pl.when(grp_ref[t] >= 0)
    def _():
        xsb = xs_ref[...].astype(jnp.bfloat16)
        out_ref[:, :_C] = lax.dot_general(
            xsb, w0_ref[0].astype(jnp.bfloat16), (((1,), (1,)), ((), ())),
            preferred_element_type=jnp.float32) + b0_ref[0, 0]
        out_ref[:, _C:] = lax.dot_general(
            xsb, w1_ref[0].astype(jnp.bfloat16), (((1,), (1,)), ((), ())),
            preferred_element_type=jnp.float32) + b1_ref[0, 0]


@jax.jit
def kernel(x, W_parent, b_parent, W_child0, b_child0, W_child1, b_child1,
           device):
    del device

    logits, pos, grp = pl.pallas_call(
        _parent_route_body,
        grid=(_B // _TB1,),
        in_specs=[
            pl.BlockSpec((_TB1, _D), lambda i: (i, 0)),
            pl.BlockSpec((_P, _D), lambda i: (0, 0)),
            pl.BlockSpec((1, _P), lambda i: (0, 0)),
        ],
        out_specs=(
            pl.BlockSpec((_TB1, _P), lambda i: (i, 0)),
            pl.BlockSpec((_B, 1), lambda i: (0, 0)),
            pl.BlockSpec((1, _NTPAD), lambda i: (0, 0)),
        ),
        out_shape=(
            jax.ShapeDtypeStruct((_B, _P), jnp.float32),
            jax.ShapeDtypeStruct((_B, 1), jnp.int32),
            jax.ShapeDtypeStruct((1, _NTPAD), jnp.int32),
        ),
        scratch_shapes=[pltpu.VMEM((_B, 1), jnp.int32)],
    )(x, W_parent, b_parent.reshape(1, _P))
    pos1d = pos.reshape(_B)
    grp1d = grp.reshape(_NTPAD)

    mesh = plsc.VectorSubcoreMesh(
        core_axis_name="c", subcore_axis_name="s",
        num_cores=_SC_NC, num_subcores=_SC_NS)
    xs_pad = pl.kernel(
        _sc_scatter_body,
        out_type=jax.ShapeDtypeStruct((_BPAD, _D), jnp.float32),
        mesh=mesh,
        scratch_types=(
            [pltpu.VMEM((_TPW,), jnp.int32)]
            + [pltpu.VMEM((_CH, _D), jnp.float32)] * _NBUF
            + [pltpu.SemaphoreType.DMA] * (2 * _NBUF)),
    )(x, pos1d)

    grid_spec = pltpu.PrefetchScalarGridSpec(
        num_scalar_prefetch=1,
        grid=(_NT,),
        in_specs=[
            pl.BlockSpec((_T, _D),
                         lambda t, grp: (jnp.where(grp[t] >= 0, t, 0), 0)),
            pl.BlockSpec((1, _C, _D),
                         lambda t, grp: (jnp.maximum(grp[t], 0), 0, 0)),
            pl.BlockSpec((1, 1, _C),
                         lambda t, grp: (jnp.maximum(grp[t], 0), 0, 0)),
            pl.BlockSpec((1, _C, _D),
                         lambda t, grp: (jnp.maximum(grp[t], 0), 0, 0)),
            pl.BlockSpec((1, 1, _C),
                         lambda t, grp: (jnp.maximum(grp[t], 0), 0, 0)),
        ],
        out_specs=pl.BlockSpec((_T, _C2), lambda t, grp: (t, 0)),
    )
    out_pad = pl.pallas_call(
        _gmm_body,
        grid_spec=grid_spec,
        out_shape=jax.ShapeDtypeStruct((_BPAD, _C2), jnp.float32),
    )(grp1d, xs_pad, W_child0, b_child0.reshape(_P, 1, _C),
      W_child1, b_child1.reshape(_P, 1, _C))

    child0, child1 = pl.kernel(
        _sc_gather_body,
        out_type=(jax.ShapeDtypeStruct((_B, _C), jnp.float32),
                  jax.ShapeDtypeStruct((_B, _C), jnp.float32)),
        mesh=mesh,
        scratch_types=[
            pltpu.VMEM((_TPW,), jnp.int32),
            pltpu.VMEM((_TPW, _C2), jnp.float32),
            pltpu.SemaphoreType.DMA,
        ],
    )(out_pad, pos1d)
    return logits, child0, child1

# --- scband reference (transcript-rebuilt; emitter-appended) ---
"""Pipeline reference for scband-hierarchical-classifier-47777216200715 (READ-ONLY COPY).

The authoritative reference and input builder live on the scoring server;
editing this copy changes nothing except your own understanding.
"""

import jax, jax.numpy as jnp
import numpy as np

B = 4096
D = 2048
P = 16
CHILDREN = [128, 128]


def setup_inputs(seed: int = 0) -> dict:
    key = jax.random.key(seed)
    ks = jax.random.split(key, 6)
    x = jax.random.normal(ks[0], (B, D), dtype=jnp.float32)
    # parent classifier params (trunc_normal std=2e-5 approximated by scaled normal; bias zero)
    W_parent = jax.random.normal(ks[1], (P, D), dtype=jnp.float32) * 2e-5
    b_parent = jnp.zeros((P,), dtype=jnp.float32)
    # child classifiers stacked per level: [num_parents, num_children, input_dim]
    W_child0 = jax.random.normal(ks[2], (P, CHILDREN[0], D), dtype=jnp.float32) * 2e-5
    b_child0 = jnp.zeros((P, CHILDREN[0]), dtype=jnp.float32)
    W_child1 = jax.random.normal(ks[3], (P, CHILDREN[1], D), dtype=jnp.float32) * 2e-5
    b_child1 = jnp.zeros((P, CHILDREN[1]), dtype=jnp.float32)
    return {
        "x": x,
        "W_parent": W_parent,
        "b_parent": b_parent,
        "W_child0": W_child0,
        "b_child0": b_child0,
        "W_child1": W_child1,
        "b_child1": b_child1,
        "device": 0,
    }


def reference(x, W_parent, b_parent, W_child0, b_child0, W_child1, b_child1, device):
    # head_drop is identity at inference (dropout disabled)
    parent_logits = x @ W_parent.T + b_parent  # [B, P]
    parent_probs = jax.nn.softmax(parent_logits, axis=1)
    parent_class = jnp.argmax(parent_probs, axis=1)  # [B] int

    def child_level(Wc, bc):
        # gather each token's routed child-classifier weights, then per-token matvec
        Wsel = jnp.take(Wc, parent_class, axis=0)  # [B, C, D]
        bsel = jnp.take(bc, parent_class, axis=0)  # [B, C]
        return jnp.einsum('bd,bcd->bc', x, Wsel) + bsel

    child0 = child_level(W_child0, b_child0)
    child1 = child_level(W_child1, b_child1)
    return (parent_logits, child0, child1)

if __name__ == "__main__":
    import jax
    _d = setup_inputs()
    print(jax.jit(kernel)(*tuple(_d.values())))

</pallas_src>

<mosaic_0001>
#map = affine_map<(d0, d1) -> (0, 0)>
#map1 = affine_map<(d0, d1) -> (0)>
module attributes {stable_mosaic.version = 14 : i64} {
  func.func @_sc_gather_body(%arg0: i32, %arg1: i32, %arg2: memref<6144x256xf32, #tpu.memory_space<hbm>>, %arg3: memref<4096xi32, #tpu.memory_space<hbm>>, %arg4: memref<4096x128xf32, #tpu.memory_space<hbm>>, %arg5: memref<4096x128xf32, #tpu.memory_space<hbm>>, %arg6: memref<128xi32, #tpu.memory_space<vmem>>, %arg7: memref<128x256xf32, #tpu.memory_space<vmem>>, %arg8: memref<!tpu.dma_semaphore, #tpu.memory_space<semaphore_mem>>) attributes {dimension_semantics = [#tpu.dimension_semantics<core_parallel>, #tpu.dimension_semantics<subcore_parallel>], iteration_bounds = array<i64: 2, 16>, scalar_prefetch = 0 : i64, scratch_operands = 3 : i64, tpu.core_type = #tpu.core_type<sc_vector_subcore>, window_params = [{transform_indices = #map}, {transform_indices = #map1}, {transform_indices = #map}, {transform_indices = #map}]} {
    %mul3A = arith.constant 2 : i32
    %mul3A_0 = arith.muli %arg1, %mul3A : i32
    %add3A = arith.addi %mul3A_0, %arg0 : i32
    %mul3A_1 = arith.constant 128 : i32
    %mul3A_2 = arith.muli %add3A, %mul3A_1 : i32
    "tpu.region"() ({
      %run_scoped3A = tpu.sem_alloc : memref<!tpu.dma_semaphore, #tpu.memory_space<semaphore_mem>>
      %dma_start3A_7 = tpu.memref_slice %arg3[%mul3A_2] : memref<4096xi32, #tpu.memory_space<hbm>> -> memref<128xi32, #tpu.memory_space<hbm>>
      %dma_start3A_8 = tpu.memref_slice %arg3[%mul3A_2] : memref<4096xi32, #tpu.memory_space<hbm>> -> memref<128xi32, #tpu.memory_space<hbm>>
      tpu.enqueue_dma source(%dma_start3A_8 : memref<128xi32, #tpu.memory_space<hbm>>) target(%arg6 : memref<128xi32, #tpu.memory_space<vmem>>) target_semaphore(%run_scoped3A : memref<!tpu.dma_semaphore, #tpu.memory_space<semaphore_mem>>)
      %dma_wait3A_9 = tpu.memref_slice %arg3[%mul3A_2] : memref<4096xi32, #tpu.memory_space<hbm>> -> memref<128xi32, #tpu.memory_space<hbm>>
      %dma_wait3A_10 = tpu.memref_slice %arg3[%mul3A_2] : memref<4096xi32, #tpu.memory_space<hbm>> -> memref<128xi32, #tpu.memory_space<hbm>>
      tpu.wait_dma2 semaphore(%run_scoped3A : memref<!tpu.dma_semaphore, #tpu.memory_space<semaphore_mem>>) src(%dma_wait3A_10 : memref<128xi32, #tpu.memory_space<hbm>>) dst(%arg6 : memref<128xi32, #tpu.memory_space<vmem>>)
      tpu.yield
    }) : () -> ()
    %dma_start3A = arith.constant 0 : i32
    %dma_start3A_3 = arith.constant 0 : i32
    %dma_start3A_4 = tpu.memref_slice %arg2[%dma_start3A, %dma_start3A_3] : memref<6144x256xf32, #tpu.memory_space<hbm>> -> memref<6144x256xf32, #tpu.memory_space<hbm>>
    tpu.enqueue_indirect_dma source(%dma_start3A_4 : memref<6144x256xf32, #tpu.memory_space<hbm>>) target(%arg7 : memref<128x256xf32, #tpu.memory_space<vmem>>) offsets(%arg6 : memref<128xi32, #tpu.memory_space<vmem>>) semaphore(%arg8 : memref<!tpu.dma_semaphore, #tpu.memory_space<semaphore_mem>>)
    %dma_wait3A = arith.constant 0 : i32
    %dma_wait3A_5 = arith.constant 0 : i32
    %dma_wait3A_6 = tpu.memref_slice %arg2[%dma_wait3A, %dma_wait3A_5] : memref<6144x256xf32, #tpu.memory_space<hbm>> -> memref<6144x256xf32, #tpu.memory_space<hbm>>
    tpu.wait_indirect_dma semaphore(%arg8 : memref<!tpu.dma_semaphore, #tpu.memory_space<semaphore_mem>>) src(%dma_wait3A_6 : memref<6144x256xf32, #tpu.memory_space<hbm>>) dst(%arg7 : memref<128x256xf32, #tpu.memory_space<vmem>>)
    "tpu.region"() ({
      %run_scoped3A = tpu.sem_alloc : memref<!tpu.dma_semaphore, #tpu.memory_space<semaphore_mem>>
      %dma_start3A_7 = arith.constant 0 : i32
      %dma_start3A_8 = arith.constant 0 : i32
      %dma_start3A_9 = tpu.memref_slice %arg7[%dma_start3A_7, %dma_start3A_8] : memref<128x256xf32, #tpu.memory_space<vmem>> -> memref<128x128xf32, #tpu.memory_space<vmem>>
      %dma_start3A_10 = arith.constant 0 : i32
      %dma_start3A_11 = tpu.memref_slice %arg4[%mul3A_2, %dma_start3A_10] : memref<4096x128xf32, #tpu.memory_space<hbm>> -> memref<128x128xf32, #tpu.memory_space<hbm>>
      %dma_start3A_12 = arith.constant 0 : i32
      %dma_start3A_13 = tpu.memref_slice %arg4[%mul3A_2, %dma_start3A_12] : memref<4096x128xf32, #tpu.memory_space<hbm>> -> memref<128x128xf32, #tpu.memory_space<hbm>>
      %dma_start3A_14 = arith.constant 0 : i32
      %dma_start3A_15 = arith.constant 0 : i32
      %dma_start3A_16 = tpu.memref_slice %arg7[%dma_start3A_14, %dma_start3A_15] : memref<128x256xf32, #tpu.memory_space<vmem>> -> memref<128x128xf32, #tpu.memory_space<vmem>>
      tpu.enqueue_dma source(%dma_start3A_16 : memref<128x128xf32, #tpu.memory_space<vmem>>) target(%dma_start3A_13 : memref<128x128xf32, #tpu.memory_space<hbm>>) target_semaphore(%run_scoped3A : memref<!tpu.dma_semaphore, #tpu.memory_space<semaphore_mem>>)
      %dma_wait3A_17 = arith.constant 0 : i32
      %dma_wait3A_18 = arith.constant 0 : i32
      %dma_wait3A_19 = tpu.memref_slice %arg7[%dma_wait3A_17, %dma_wait3A_18] : memref<128x256xf32, #tpu.memory_space<vmem>> -> memref<128x128xf32, #tpu.memory_space<vmem>>
      %dma_wait3A_20 = arith.constant 0 : i32
      %dma_wait3A_21 = tpu.memref_slice %arg4[%mul3A_2, %dma_wait3A_20] : memref<4096x128xf32, #tpu.memory_space<hbm>> -> memref<128x128xf32, #tpu.memory_space<hbm>>
      %dma_wait3A_22 = arith.constant 0 : i32
      %dma_wait3A_23 = tpu.memref_slice %arg4[%mul3A_2, %dma_wait3A_22] : memref<4096x128xf32, #tpu.memory_space<hbm>> -> memref<128x128xf32, #tpu.memory_space<hbm>>
      %dma_wait3A_24 = arith.constant 0 : i32
      %dma_wait3A_25 = arith.constant 0 : i32
      %dma_wait3A_26 = tpu.memref_slice %arg7[%dma_wait3A_24, %dma_wait3A_25] : memref<128x256xf32, #tpu.memory_space<vmem>> -> memref<128x128xf32, #tpu.memory_space<vmem>>
      tpu.wait_dma2 semaphore(%run_scoped3A : memref<!tpu.dma_semaphore, #tpu.memory_space<semaphore_mem>>) src(%dma_wait3A_26 : memref<128x128xf32, #tpu.memory_space<vmem>>) dst(%dma_wait3A_23 : memref<128x128xf32, #tpu.memory_space<hbm>>)
      tpu.yield
    }) : () -> ()
    "tpu.region"() ({
      %run_scoped3A = tpu.sem_alloc : memref<!tpu.dma_semaphore, #tpu.memory_space<semaphore_mem>>
      %dma_start3A_7 = arith.constant 0 : i32
      %dma_start3A_8 = arith.constant 128 : i32
      %dma_start3A_9 = tpu.memref_slice %arg7[%dma_start3A_7, %dma_start3A_8] : memref<128x256xf32, #tpu.memory_space<vmem>> -> memref<128x128xf32, #tpu.memory_space<vmem>>
      %dma_start3A_10 = arith.constant 0 : i32
      %dma_start3A_11 = tpu.memref_slice %arg5[%mul3A_2, %dma_start3A_10] : memref<4096x128xf32, #tpu.memory_space<hbm>> -> memref<128x128xf32, #tpu.memory_space<hbm>>
      %dma_start3A_12 = arith.constant 0 : i32
      %dma_start3A_13 = tpu.memref_slice %arg5[%mul3A_2, %dma_start3A_12] : memref<4096x128xf32, #tpu.memory_space<hbm>> -> memref<128x128xf32, #tpu.memory_space<hbm>>
      %dma_start3A_14 = arith.constant 0 : i32
      %dma_start3A_15 = arith.constant 128 : i32
      %dma_start3A_16 = tpu.memref_slice %arg7[%dma_start3A_14, %dma_start3A_15] : memref<128x256xf32, #tpu.memory_space<vmem>> -> memref<128x128xf32, #tpu.memory_space<vmem>>
      tpu.enqueue_dma source(%dma_start3A_16 : memref<128x128xf32, #tpu.memory_space<vmem>>) target(%dma_start3A_13 : memref<128x128xf32, #tpu.memory_space<hbm>>) target_semaphore(%run_scoped3A : memref<!tpu.dma_semaphore, #tpu.memory_space<semaphore_mem>>)
      %dma_wait3A_17 = arith.constant 0 : i32
      %dma_wait3A_18 = arith.constant 128 : i32
      %dma_wait3A_19 = tpu.memref_slice %arg7[%dma_wait3A_17, %dma_wait3A_18] : memref<128x256xf32, #tpu.memory_space<vmem>> -> memref<128x128xf32, #tpu.memory_space<vmem>>
      %dma_wait3A_20 = arith.constant 0 : i32
      %dma_wait3A_21 = tpu.memref_slice %arg5[%mul3A_2, %dma_wait3A_20] : memref<4096x128xf32, #tpu.memory_space<hbm>> -> memref<128x128xf32, #tpu.memory_space<hbm>>
      %dma_wait3A_22 = arith.constant 0 : i32
      %dma_wait3A_23 = tpu.memref_slice %arg5[%mul3A_2, %dma_wait3A_22] : memref<4096x128xf32, #tpu.memory_space<hbm>> -> memref<128x128xf32, #tpu.memory_space<hbm>>
      %dma_wait3A_24 = arith.constant 0 : i32
      %dma_wait3A_25 = arith.constant 128 : i32
      %dma_wait3A_26 = tpu.memref_slice %arg7[%dma_wait3A_24, %dma_wait3A_25] : memref<128x256xf32, #tpu.memory_space<vmem>> -> memref<128x128xf32, #tpu.memory_space<vmem>>
      tpu.wait_dma2 semaphore(%run_scoped3A : memref<!tpu.dma_semaphore, #tpu.memory_space<semaphore_mem>>) src(%dma_wait3A_26 : memref<128x128xf32, #tpu.memory_space<vmem>>) dst(%dma_wait3A_23 : memref<128x128xf32, #tpu.memory_space<hbm>>)
      tpu.yield
    }) : () -> ()
    return
  }
}

#map = affine_map<(d0, d1) -> (0, 0)>
#map1 = affine_map<(d0, d1) -> (0)>
module attributes {stable_mosaic.version = 14 : i64} {
  func.func @_sc_scatter_body(%arg0: i32, %arg1: i32, %arg2: memref<4096x2048xf32, #tpu.memory_space<hbm>>, %arg3: memref<4096xi32, #tpu.memory_space<hbm>>, %arg4: memref<6144x2048xf32, #tpu.memory_space<hbm>>, %arg5: memref<128xi32, #tpu.memory_space<vmem>>, %arg6: memref<16x2048xf32, #tpu.memory_space<vmem>>, %arg7: memref<16x2048xf32, #tpu.memory_space<vmem>>, %arg8: memref<16x2048xf32, #tpu.memory_space<vmem>>, %arg9: memref<!tpu.dma_semaphore, #tpu.memory_space<semaphore_mem>>, %arg10: memref<!tpu.dma_semaphore, #tpu.memory_space<semaphore_mem>>, %arg11: memref<!tpu.dma_semaphore, #tpu.memory_space<semaphore_mem>>, %arg12: memref<!tpu.dma_semaphore, #tpu.memory_space<semaphore_mem>>, %arg13: memref<!tpu.dma_semaphore, #tpu.memory_space<semaphore_mem>>, %arg14: memref<!tpu.dma_semaphore, #tpu.memory_space<semaphore_mem>>) attributes {dimension_semantics = [#tpu.dimension_semantics<core_parallel>, #tpu.dimension_semantics<subcore_parallel>], iteration_bounds = array<i64: 2, 16>, scalar_prefetch = 0 : i64, scratch_operands = 10 : i64, tpu.core_type = #tpu.core_type<sc_vector_subcore>, window_params = [{transform_indices = #map}, {transform_indices = #map1}, {transform_indices = #map}]} {
    %mul3A = arith.constant 2 : i32
    %mul3A_0 = arith.muli %arg1, %mul3A : i32
    %add3A = arith.addi %mul3A_0, %arg0 : i32
    %mul3A_1 = arith.constant 128 : i32
    %mul3A_2 = arith.muli %add3A, %mul3A_1 : i32
    "tpu.region"() ({
      %run_scoped3A = tpu.sem_alloc : memref<!tpu.dma_semaphore, #tpu.memory_space<semaphore_mem>>
      %dma_start3A_152 = tpu.memref_slice %arg3[%mul3A_2] : memref<4096xi32, #tpu.memory_space<hbm>> -> memref<128xi32, #tpu.memory_space<hbm>>
      %dma_start3A_153 = tpu.memref_slice %arg3[%mul3A_2] : memref<4096xi32, #tpu.memory_space<hbm>> -> memref<128xi32, #tpu.memory_space<hbm>>
      tpu.enqueue_dma source(%dma_start3A_153 : memref<128xi32, #tpu.memory_space<hbm>>) target(%arg5 : memref<128xi32, #tpu.memory_space<vmem>>) target_semaphore(%run_scoped3A : memref<!tpu.dma_semaphore, #tpu.memory_space<semaphore_mem>>)
      %dma_wait3A_154 = tpu.memref_slice %arg3[%mul3A_2] : memref<4096xi32, #tpu.memory_space<hbm>> -> memref<128xi32, #tpu.memory_space<hbm>>
      %dma_wait3A_155 = tpu.memref_slice %arg3[%mul3A_2] : memref<4096xi32, #tpu.memory_space<hbm>> -> memref<128xi32, #tpu.memory_space<hbm>>
      tpu.wait_dma2 semaphore(%run_scoped3A : memref<!tpu.dma_semaphore, #tpu.memory_space<semaphore_mem>>) src(%dma_wait3A_155 : memref<128xi32, #tpu.memory_space<hbm>>) dst(%arg5 : memref<128xi32, #tpu.memory_space<vmem>>)
      tpu.yield
    }) : () -> ()
    %add3A_3 = arith.constant 0 : i32
    %add3A_4 = arith.addi %mul3A_2, %add3A_3 : i32
    %dma_start3A = arith.constant 0 : i32
    %dma_start3A_5 = tpu.memref_slice %arg2[%add3A_4, %dma_start3A] : memref<4096x2048xf32, #tpu.memory_space<hbm>> -> memref<16x2048xf32, #tpu.memory_space<hbm>>
    %dma_start3A_6 = arith.constant 0 : i32
    %dma_start3A_7 = tpu.memref_slice %arg2[%add3A_4, %dma_start3A_6] : memref<4096x2048xf32, #tpu.memory_space<hbm>> -> memref<16x2048xf32, #tpu.memory_space<hbm>>
    tpu.enqueue_dma source(%dma_start3A_7 : memref<16x2048xf32, #tpu.memory_space<hbm>>) target(%arg6 : memref<16x2048xf32, #tpu.memory_space<vmem>>) target_semaphore(%arg9 : memref<!tpu.dma_semaphore, #tpu.memory_space<semaphore_mem>>)
    %add3A_8 = arith.constant 16 : i32
    %add3A_9 = arith.addi %mul3A_2, %add3A_8 : i32
    %dma_start3A_10 = arith.constant 0 : i32
    %dma_start3A_11 = tpu.memref_slice %arg2[%add3A_9, %dma_start3A_10] : memref<4096x2048xf32, #tpu.memory_space<hbm>> -> memref<16x2048xf32, #tpu.memory_space<hbm>>
    %dma_start3A_12 = arith.constant 0 : i32
    %dma_start3A_13 = tpu.memref_slice %arg2[%add3A_9, %dma_start3A_12] : memref<4096x2048xf32, #tpu.memory_space<hbm>> -> memref<16x2048xf32, #tpu.memory_space<hbm>>
    tpu.enqueue_dma source(%dma_start3A_13 : memref<16x2048xf32, #tpu.memory_space<hbm>>) target(%arg7 : memref<16x2048xf32, #tpu.memory_space<vmem>>) target_semaphore(%arg10 : memref<!tpu.dma_semaphore, #tpu.memory_space<semaphore_mem>>)
    %add3A_14 = arith.constant 32 : i32
    %add3A_15 = arith.addi %mul3A_2, %add3A_14 : i32
    %dma_start3A_16 = arith.constant 0 : i32
    %dma_start3A_17 = tpu.memref_slice %arg2[%add3A_15, %dma_start3A_16] : memref<4096x2048xf32, #tpu.memory_space<hbm>> -> memref<16x2048xf32, #tpu.memory_space<hbm>>
    %dma_start3A_18 = arith.constant 0 : i32
    %dma_start3A_19 = tpu.memref_slice %arg2[%add3A_15, %dma_start3A_18] : memref<4096x2048xf32, #tpu.memory_space<hbm>> -> memref<16x2048xf32, #tpu.memory_space<hbm>>
    tpu.enqueue_dma source(%dma_start3A_19 : memref<16x2048xf32, #tpu.memory_space<hbm>>) target(%arg8 : memref<16x2048xf32, #tpu.memory_space<vmem>>) target_semaphore(%arg11 : memref<!tpu.dma_semaphore, #tpu.memory_space<semaphore_mem>>)
    %dma_wait3A = arith.constant 0 : i32
    %dma_wait3A_20 = tpu.memref_slice %arg2[%add3A_4, %dma_wait3A] : memref<4096x2048xf32, #tpu.memory_space<hbm>> -> memref<16x2048xf32, #tpu.memory_space<hbm>>
    %dma_wait3A_21 = arith.constant 0 : i32
    %dma_wait3A_22 = tpu.memref_slice %arg2[%add3A_4, %dma_wait3A_21] : memref<4096x2048xf32, #tpu.memory_space<hbm>> -> memref<16x2048xf32, #tpu.memory_space<hbm>>
    tpu.wait_dma2 semaphore(%arg9 : memref<!tpu.dma_semaphore, #tpu.memory_space<semaphore_mem>>) src(%dma_wait3A_22 : memref<16x2048xf32, #tpu.memory_space<hbm>>) dst(%arg6 : memref<16x2048xf32, #tpu.memory_space<vmem>>)
    %get3A = arith.constant 0 : index
    %get3A_23 = tpu.vector_load %arg5[%get3A] {strides = array<i32>} : memref<128xi32, #tpu.memory_space<vmem>>, vector<16xi32>,
    %get3A_24 = vector.shape_cast %get3A_23 : vector<16xi32> to vector<16xi32>
    %dma_start3A_25 = arith.constant 0 : i32
    %dma_start3A_26 = arith.constant 0 : i32
    %dma_start3A_27 = tpu.memref_slice %arg4[%dma_start3A_25, %dma_start3A_26] : memref<6144x2048xf32, #tpu.memory_space<hbm>> -> memref<6144x2048xf32, #tpu.memory_space<hbm>>
    tpu.enqueue_indirect_dma source(%arg6 : memref<16x2048xf32, #tpu.memory_space<vmem>>) target(%dma_start3A_27 : memref<6144x2048xf32, #tpu.memory_space<hbm>>) offsets(%get3A_24 : vector<16xi32>) semaphore(%arg12 : memref<!tpu.dma_semaphore, #tpu.memory_space<semaphore_mem>>)
    %dma_wait3A_28 = arith.constant 0 : i32
    %dma_wait3A_29 = arith.constant 0 : i32
    %dma_wait3A_30 = tpu.memref_slice %arg4[%dma_wait3A_28, %dma_wait3A_29] : memref<6144x2048xf32, #tpu.memory_space<hbm>> -> memref<6144x2048xf32, #tpu.memory_space<hbm>>
    tpu.wait_indirect_dma semaphore(%arg12 : memref<!tpu.dma_semaphore, #tpu.memory_space<semaphore_mem>>) src(%arg6 : memref<16x2048xf32, #tpu.memory_space<vmem>>) dst(%dma_wait3A_30 : memref<6144x2048xf32, #tpu.memory_space<hbm>>)
    %add3A_31 = arith.constant 48 : i32
    %add3A_32 = arith.addi %mul3A_2, %add3A_31 : i32
    %dma_start3A_33 = arith.constant 0 : i32
    %dma_start3A_34 = tpu.memref_slice %arg2[%add3A_32, %dma_start3A_33] : memref<4096x2048xf32, #tpu.memory_space<hbm>> -> memref<16x2048xf32, #tpu.memory_space<hbm>>
    %dma_start3A_35 = arith.constant 0 : i32
    %dma_start3A_36 = tpu.memref_slice %arg2[%add3A_32, %dma_start3A_35] : memref<4096x2048xf32, #tpu.memory_space<hbm>> -> memref<16x2048xf32, #tpu.memory_space<hbm>>
    tpu.enqueue_dma source(%dma_start3A_36 : memref<16x2048xf32, #tpu.memory_space<hbm>>) target(%arg6 : memref<16x2048xf32, #tpu.memory_space<vmem>>) target_semaphore(%arg9 : memref<!tpu.dma_semaphore, #tpu.memory_space<semaphore_mem>>)
    %dma_wait3A_37 = arith.constant 0 : i32
    %dma_wait3A_38 = tpu.memref_slice %arg2[%add3A_9, %dma_wait3A_37] : memref<4096x2048xf32, #tpu.memory_space<hbm>> -> memref<16x2048xf32, #tpu.memory_space<hbm>>
    %dma_wait3A_39 = arith.constant 0 : i32
    %dma_wait3A_40 = tpu.memref_slice %arg2[%add3A_9, %dma_wait3A_39] : memref<4096x2048xf32, #tpu.memory_space<hbm>> -> memref<16x2048xf32, #tpu.memory_space<hbm>>
    tpu.wait_dma2 semaphore(%arg10 : memref<!tpu.dma_semaphore, #tpu.memory_space<semaphore_mem>>) src(%dma_wait3A_40 : memref<16x2048xf32, #tpu.memory_space<hbm>>) dst(%arg7 : memref<16x2048xf32, #tpu.memory_space<vmem>>)
    %get3A_41 = arith.constant 16 : index
    %get3A_42 = tpu.vector_load %arg5[%get3A_41] {strides = array<i32>} : memref<128xi32, #tpu.memory_space<vmem>>, vector<16xi32>,
    %get3A_43 = vector.shape_cast %get3A_42 : vector<16xi32> to vector<16xi32>
    %dma_start3A_44 = arith.constant 0 : i32
    %dma_start3A_45 = arith.constant 0 : i32
    %dma_start3A_46 = tpu.memref_slice %arg4[%dma_start3A_44, %dma_start3A_45] : memref<6144x2048xf32, #tpu.memory_space<hbm>> -> memref<6144x2048xf32, #tpu.memory_space<hbm>>
    tpu.enqueue_indirect_dma source(%arg7 : memref<16x2048xf32, #tpu.memory_space<vmem>>) target(%dma_start3A_46 : memref<6144x2048xf32, #tpu.memory_space<hbm>>) offsets(%get3A_43 : vector<16xi32>) semaphore(%arg13 : memref<!tpu.dma_semaphore, #tpu.memory_space<semaphore_mem>>)
    %dma_wait3A_47 = arith.constant 0 : i32
    %dma_wait3A_48 = arith.constant 0 : i32
    %dma_wait3A_49 = tpu.memref_slice %arg4[%dma_wait3A_47, %dma_wait3A_48] : memref<6144x2048xf32, #tpu.memory_space<hbm>> -> memref<6144x2048xf32, #tpu.memory_space<hbm>>
    tpu.wait_indirect_dma semaphore(%arg13 : memref<!tpu.dma_semaphore, #tpu.memory_space<semaphore_mem>>) src(%arg7 : memref<16x2048xf32, #tpu.memory_space<vmem>>) dst(%dma_wait3A_49 : memref<6144x2048xf32, #tpu.memory_space<hbm>>)
    %add3A_50 = arith.constant 64 : i32
    %add3A_51 = arith.addi %mul3A_2, %add3A_50 : i32
    %dma_start3A_52 = arith.constant 0 : i32
    %dma_start3A_53 = tpu.memref_slice %arg2[%add3A_51, %dma_start3A_52] : memref<4096x2048xf32, #tpu.memory_space<hbm>> -> memref<16x2048xf32, #tpu.memory_space<hbm>>
    %dma_start3A_54 = arith.constant 0 : i32
    %dma_start3A_55 = tpu.memref_slice %arg2[%add3A_51, %dma_start3A_54] : memref<4096x2048xf32, #tpu.memory_space<hbm>> -> memref<16x2048xf32, #tpu.memory_space<hbm>>
    tpu.enqueue_dma source(%dma_start3A_55 : memref<16x2048xf32, #tpu.memory_space<hbm>>) target(%arg7 : memref<16x2048xf32, #tpu.memory_space<vmem>>) target_semaphore(%arg10 : memref<!tpu.dma_semaphore, #tpu.memory_space<semaphore_mem>>)
    %dma_wait3A_56 = arith.constant 0 : i32
    %dma_wait3A_57 = tpu.memref_slice %arg2[%add3A_15, %dma_wait3A_56] : memref<4096x2048xf32, #tpu.memory_space<hbm>> -> memref<16x2048xf32, #tpu.memory_space<hbm>>
    %dma_wait3A_58 = arith.constant 0 : i32
    %dma_wait3A_59 = tpu.memref_slice %arg2[%add3A_15, %dma_wait3A_58] : memref<4096x2048xf32, #tpu.memory_space<hbm>> -> memref<16x2048xf32, #tpu.memory_space<hbm>>
    tpu.wait_dma2 semaphore(%arg11 : memref<!tpu.dma_semaphore, #tpu.memory_space<semaphore_mem>>) src(%dma_wait3A_59 : memref<16x2048xf32, #tpu.memory_space<hbm>>) dst(%arg8 : memref<16x2048xf32, #tpu.memory_space<vmem>>)
    %get3A_60 = arith.constant 32 : index
    %get3A_61 = tpu.vector_load %arg5[%get3A_60] {strides = array<i32>} : memref<128xi32, #tpu.memory_space<vmem>>, vector<16xi32>,
    %get3A_62 = vector.shape_cast %get3A_61 : vector<16xi32> to vector<16xi32>
    %dma_start3A_63 = arith.constant 0 : i32
    %dma_start3A_64 = arith.constant 0 : i32
    %dma_start3A_65 = tpu.memref_slice %arg4[%dma_start3A_63, %dma_start3A_64] : memref<6144x2048xf32, #tpu.memory_space<hbm>> -> memref<6144x2048xf32, #tpu.memory_space<hbm>>
    tpu.enqueue_indirect_dma source(%arg8 : memref<16x2048xf32, #tpu.memory_space<vmem>>) target(%dma_start3A_65 : memref<6144x2048xf32, #tpu.memory_space<hbm>>) offsets(%get3A_62 : vector<16xi32>) semaphore(%arg14 : memref<!tpu.dma_semaphore, #tpu.memory_space<semaphore_mem>>)
    %dma_wait3A_66 = arith.constant 0 : i32
    %dma_wait3A_67 = arith.constant 0 : i32
    %dma_wait3A_68 = tpu.memref_slice %arg4[%dma_wait3A_66, %dma_wait3A_67] : memref<6144x2048xf32, #tpu.memory_space<hbm>> -> memref<6144x2048xf32, #tpu.memory_space<hbm>>
    tpu.wait_indirect_dma semaphore(%arg14 : memref<!tpu.dma_semaphore, #tpu.memory_space<semaphore_mem>>) src(%arg8 : memref<16x2048xf32, #tpu.memory_space<vmem>>) dst(%dma_wait3A_68 : memref<6144x2048xf32, #tpu.memory_space<hbm>>)
    %add3A_69 = arith.constant 80 : i32
    %add3A_70 = arith.addi %mul3A_2, %add3A_69 : i32
    %dma_start3A_71 = arith.constant 0 : i32
    %dma_start3A_72 = tpu.memref_slice %arg2[%add3A_70, %dma_start3A_71] : memref<4096x2048xf32, #tpu.memory_space<hbm>> -> memref<16x2048xf32, #tpu.memory_space<hbm>>
    %dma_start3A_73 = arith.constant 0 : i32
    %dma_start3A_74 = tpu.memref_slice %arg2[%add3A_70, %dma_start3A_73] : memref<4096x2048xf32, #tpu.memory_space<hbm>> -> memref<16x2048xf32, #tpu.memory_space<hbm>>
    tpu.enqueue_dma source(%dma_start3A_74 : memref<16x2048xf32, #tpu.memory_space<hbm>>) target(%arg8 : memref<16x2048xf32, #tpu.memory_space<vmem>>) target_semaphore(%arg11 : memref<!tpu.dma_semaphore, #tpu.memory_space<semaphore_mem>>)
    %dma_wait3A_75 = arith.constant 0 : i32
    %dma_wait3A_76 = tpu.memref_slice %arg2[%add3A_32, %dma_wait3A_75] : memref<4096x2048xf32, #tpu.memory_space<hbm>> -> memref<16x2048xf32, #tpu.memory_space<hbm>>
    %dma_wait3A_77 = arith.constant 0 : i32
    %dma_wait3A_78 = tpu.memref_slice %arg2[%add3A_32, %dma_wait3A_77] : memref<4096x2048xf32, #tpu.memory_space<hbm>> -> memref<16x2048xf32, #tpu.memory_space<hbm>>
    tpu.wait_dma2 semaphore(%arg9 : memref<!tpu.dma_semaphore, #tpu.memory_space<semaphore_mem>>) src(%dma_wait3A_78 : memref<16x2048xf32, #tpu.memory_space<hbm>>) dst(%arg6 : memref<16x2048xf32, #tpu.memory_space<vmem>>)
    %get3A_79 = arith.constant 48 : index
    %get3A_80 = tpu.vector_load %arg5[%get3A_79] {strides = array<i32>} : memref<128xi32, #tpu.memory_space<vmem>>, vector<16xi32>,
    %get3A_81 = vector.shape_cast %get3A_80 : vector<16xi32> to vector<16xi32>
    %dma_start3A_82 = arith.constant 0 : i32
    %dma_start3A_83 = arith.constant 0 : i32
    %dma_start3A_84 = tpu.memref_slice %arg4[%dma_start3A_82, %dma_start3A_83] : memref<6144x2048xf32, #tpu.memory_space<hbm>> -> memref<6144x2048xf32, #tpu.memory_space<hbm>>
    tpu.enqueue_indirect_dma source(%arg6 : memref<16x2048xf32, #tpu.memory_space<vmem>>) target(%dma_start3A_84 : memref<6144x2048xf32, #tpu.memory_space<hbm>>) offsets(%get3A_81 : vector<16xi32>) semaphore(%arg12 : memref<!tpu.dma_semaphore, #tpu.memory_space<semaphore_mem>>)
    %dma_wait3A_85 = arith.constant 0 : i32
    %dma_wait3A_86 = arith.constant 0 : i32
    %dma_wait3A_87 = tpu.memref_slice %arg4[%dma_wait3A_85, %dma_wait3A_86] : memref<6144x2048xf32, #tpu.memory_space<hbm>> -> memref<6144x2048xf32, #tpu.memory_space<hbm>>
    tpu.wait_indirect_dma semaphore(%arg12 : memref<!tpu.dma_semaphore, #tpu.memory_space<semaphore_mem>>) src(%arg6 : memref<16x2048xf32, #tpu.memory_space<vmem>>) dst(%dma_wait3A_87 : memref<6144x2048xf32, #tpu.memory_space<hbm>>)
    %add3A_88 = arith.constant 96 : i32
    %add3A_89 = arith.addi %mul3A_2, %add3A_88 : i32
    %dma_start3A_90 = arith.constant 0 : i32
    %dma_start3A_91 = tpu.memref_slice %arg2[%add3A_89, %dma_start3A_90] : memref<4096x2048xf32, #tpu.memory_space<hbm>> -> memref<16x2048xf32, #tpu.memory_space<hbm>>
    %dma_start3A_92 = arith.constant 0 : i32
    %dma_start3A_93 = tpu.memref_slice %arg2[%add3A_89, %dma_start3A_92] : memref<4096x2048xf32, #tpu.memory_space<hbm>> -> memref<16x2048xf32, #tpu.memory_space<hbm>>
    tpu.enqueue_dma source(%dma_start3A_93 : memref<16x2048xf32, #tpu.memory_space<hbm>>) target(%arg6 : memref<16x2048xf32, #tpu.memory_space<vmem>>) target_semaphore(%arg9 : memref<!tpu.dma_semaphore, #tpu.memory_space<semaphore_mem>>)
    %dma_wait3A_94 = arith.constant 0 : i32
    %dma_wait3A_95 = tpu.memref_slice %arg2[%add3A_51, %dma_wait3A_94] : memref<4096x2048xf32, #tpu.memory_space<hbm>> -> memref<16x2048xf32, #tpu.memory_space<hbm>>
    %dma_wait3A_96 = arith.constant 0 : i32
    %dma_wait3A_97 = tpu.memref_slice %arg2[%add3A_51, %dma_wait3A_96] : memref<4096x2048xf32, #tpu.memory_space<hbm>> -> memref<16x2048xf32, #tpu.memory_space<hbm>>
    tpu.wait_dma2 semaphore(%arg10 : memref<!tpu.dma_semaphore, #tpu.memory_space<semaphore_mem>>) src(%dma_wait3A_97 : memref<16x2048xf32, #tpu.memory_space<hbm>>) dst(%arg7 : memref<16x2048xf32, #tpu.memory_space<vmem>>)
    %get3A_98 = arith.constant 64 : index
    %get3A_99 = tpu.vector_load %arg5[%get3A_98] {strides = array<i32>} : memref<128xi32, #tpu.memory_space<vmem>>, vector<16xi32>,
    %get3A_100 = vector.shape_cast %get3A_99 : vector<16xi32> to vector<16xi32>
    %dma_start3A_101 = arith.constant 0 : i32
    %dma_start3A_102 = arith.constant 0 : i32
    %dma_start3A_103 = tpu.memref_slice %arg4[%dma_start3A_101, %dma_start3A_102] : memref<6144x2048xf32, #tpu.memory_space<hbm>> -> memref<6144x2048xf32, #tpu.memory_space<hbm>>
    tpu.enqueue_indirect_dma source(%arg7 : memref<16x2048xf32, #tpu.memory_space<vmem>>) target(%dma_start3A_103 : memref<6144x2048xf32, #tpu.memory_space<hbm>>) offsets(%get3A_100 : vector<16xi32>) semaphore(%arg13 : memref<!tpu.dma_semaphore, #tpu.memory_space<semaphore_mem>>)
    %dma_wait3A_104 = arith.constant 0 : i32
    %dma_wait3A_105 = arith.constant 0 : i32
    %dma_wait3A_106 = tpu.memref_slice %arg4[%dma_wait3A_104, %dma_wait3A_105] : memref<6144x2048xf32, #tpu.memory_space<hbm>> -> memref<6144x2048xf32, #tpu.memory_space<hbm>>
    tpu.wait_indirect_dma semaphore(%arg13 : memref<!tpu.dma_semaphore, #tpu.memory_space<semaphore_mem>>) src(%arg7 : memref<16x2048xf32, #tpu.memory_space<vmem>>) dst(%dma_wait3A_106 : memref<6144x2048xf32, #tpu.memory_space<hbm>>)
    %add3A_107 = arith.constant 112 : i32
    %add3A_108 = arith.addi %mul3A_2, %add3A_107 : i32
    %dma_start3A_109 = arith.constant 0 : i32
    %dma_start3A_110 = tpu.memref_slice %arg2[%add3A_108, %dma_start3A_109] : memref<4096x2048xf32, #tpu.memory_space<hbm>> -> memref<16x2048xf32, #tpu.memory_space<hbm>>
    %dma_start3A_111 = arith.constant 0 : i32
    %dma_start3A_112 = tpu.memref_slice %arg2[%add3A_108, %dma_start3A_111] : memref<4096x2048xf32, #tpu.memory_space<hbm>> -> memref<16x2048xf32, #tpu.memory_space<hbm>>
    tpu.enqueue_dma source(%dma_start3A_112 : memref<16x2048xf32, #tpu.memory_space<hbm>>) target(%arg7 : memref<16x2048xf32, #tpu.memory_space<vmem>>) target_semaphore(%arg10 : memref<!tpu.dma_semaphore, #tpu.memory_space<semaphore_mem>>)
    %dma_wait3A_113 = arith.constant 0 : i32
    %dma_wait3A_114 = tpu.memref_slice %arg2[%add3A_70, %dma_wait3A_113] : memref<4096x2048xf32, #tpu.memory_space<hbm>> -> memref<16x2048xf32, #tpu.memory_space<hbm>>
    %dma_wait3A_115 = arith.constant 0 : i32
    %dma_wait3A_116 = tpu.memref_slice %arg2[%add3A_70, %dma_wait3A_115] : memref<4096x2048xf32, #tpu.memory_space<hbm>> -> memref<16x2048xf32, #tpu.memory_space<hbm>>
    tpu.wait_dma2 semaphore(%arg11 : memref<!tpu.dma_semaphore, #tpu.memory_space<semaphore_mem>>) src(%dma_wait3A_116 : memref<16x2048xf32, #tpu.memory_space<hbm>>) dst(%arg8 : memref<16x2048xf32, #tpu.memory_space<vmem>>)
    %get3A_117 = arith.constant 80 : index
    %get3A_118 = tpu.vector_load %arg5[%get3A_117] {strides = array<i32>} : memref<128xi32, #tpu.memory_space<vmem>>, vector<16xi32>,
    %get3A_119 = vector.shape_cast %get3A_118 : vector<16xi32> to vector<16xi32>
    %dma_start3A_120 = arith.constant 0 : i32
    %dma_start3A_121 = arith.constant 0 : i32
    %dma_start3A_122 = tpu.memref_slice %arg4[%dma_start3A_120, %dma_start3A_121] : memref<6144x2048xf32, #tpu.memory_space<hbm>> -> memref<6144x2048xf32, #tpu.memory_space<hbm>>
    tpu.enqueue_indirect_dma source(%arg8 : memref<16x2048xf32, #tpu.memory_space<vmem>>) target(%dma_start3A_122 : memref<6144x2048xf32, #tpu.memory_space<hbm>>) offsets(%get3A_119 : vector<16xi32>) semaphore(%arg14 : memref<!tpu.dma_semaphore, #tpu.memory_space<semaphore_mem>>)
    %dma_wait3A_123 = arith.constant 0 : i32
    %dma_wait3A_124 = tpu.memref_slice %arg2[%add3A_89, %dma_wait3A_123] : memref<4096x2048xf32, #tpu.memory_space<hbm>> -> memref<16x2048xf32, #tpu.memory_space<hbm>>
    %dma_wait3A_125 = arith.constant 0 : i32
    %dma_wait3A_126 = tpu.memref_slice %arg2[%add3A_89, %dma_wait3A_125] : memref<4096x2048xf32, #tpu.memory_space<hbm>> -> memref<16x2048xf32, #tpu.memory_space<hbm>>
    tpu.wait_dma2 semaphore(%arg9 : memref<!tpu.dma_semaphore, #tpu.memory_space<semaphore_mem>>) src(%dma_wait3A_126 : memref<16x2048xf32, #tpu.memory_space<hbm>>) dst(%arg6 : memref<16x2048xf32, #tpu.memory_space<vmem>>)
    %get3A_127 = arith.constant 96 : index
    %get3A_128 = tpu.vector_load %arg5[%get3A_127] {strides = array<i32>} : memref<128xi32, #tpu.memory_space<vmem>>, vector<16xi32>,
    %get3A_129 = vector.shape_cast %get3A_128 : vector<16xi32> to vector<16xi32>
    %dma_start3A_130 = arith.constant 0 : i32
    %dma_start3A_131 = arith.constant 0 : i32
    %dma_start3A_132 = tpu.memref_slice %arg4[%dma_start3A_130, %dma_start3A_131] : memref<6144x2048xf32, #tpu.memory_space<hbm>> -> memref<6144x2048xf32, #tpu.memory_space<hbm>>
    tpu.enqueue_indirect_dma source(%arg6 : memref<16x2048xf32, #tpu.memory_space<vmem>>) target(%dma_start3A_132 : memref<6144x2048xf32, #tpu.memory_space<hbm>>) offsets(%get3A_129 : vector<16xi32>) semaphore(%arg12 : memref<!tpu.dma_semaphore, #tpu.memory_space<semaphore_mem>>)
    %dma_wait3A_133 = arith.constant 0 : i32
    %dma_wait3A_134 = tpu.memref_slice %arg2[%add3A_108, %dma_wait3A_133] : memref<4096x2048xf32, #tpu.memory_space<hbm>> -> memref<16x2048xf32, #tpu.memory_space<hbm>>
    %dma_wait3A_135 = arith.constant 0 : i32
    %dma_wait3A_136 = tpu.memref_slice %arg2[%add3A_108, %dma_wait3A_135] : memref<4096x2048xf32, #tpu.memory_space<hbm>> -> memref<16x2048xf32, #tpu.memory_space<hbm>>
    tpu.wait_dma2 semaphore(%arg10 : memref<!tpu.dma_semaphore, #tpu.memory_space<semaphore_mem>>) src(%dma_wait3A_136 : memref<16x2048xf32, #tpu.memory_space<hbm>>) dst(%arg7 : memref<16x2048xf32, #tpu.memory_space<vmem>>)
    %get3A_137 = arith.constant 112 : index
    %get3A_138 = tpu.vector_load %arg5[%get3A_137] {strides = array<i32>} : memref<128xi32, #tpu.memory_space<vmem>>, vector<16xi32>,
    %get3A_139 = vector.shape_cast %get3A_138 : vector<16xi32> to vector<16xi32>
    %dma_start3A_140 = arith.constant 0 : i32
    %dma_start3A_141 = arith.constant 0 : i32
    %dma_start3A_142 = tpu.memref_slice %arg4[%dma_start3A_140, %dma_start3A_141] : memref<6144x2048xf32, #tpu.memory_space<hbm>> -> memref<6144x2048xf32, #tpu.memory_space<hbm>>
    tpu.enqueue_indirect_dma source(%arg7 : memref<16x2048xf32, #tpu.memory_space<vmem>>) target(%dma_start3A_142 : memref<6144x2048xf32, #tpu.memory_space<hbm>>) offsets(%get3A_139 : vector<16xi32>) semaphore(%arg13 : memref<!tpu.dma_semaphore, #tpu.memory_space<semaphore_mem>>)
    %dma_wait3A_143 = arith.constant 0 : i32
    %dma_wait3A_144 = arith.constant 0 : i32
    %dma_wait3A_145 = tpu.memref_slice %arg4[%dma_wait3A_143, %dma_wait3A_144] : memref<6144x2048xf32, #tpu.memory_space<hbm>> -> memref<6144x2048xf32, #tpu.memory_space<hbm>>
    tpu.wait_indirect_dma semaphore(%arg14 : memref<!tpu.dma_semaphore, #tpu.memory_space<semaphore_mem>>) src(%arg8 : memref<16x2048xf32, #tpu.memory_space<vmem>>) dst(%dma_wait3A_145 : memref<6144x2048xf32, #tpu.memory_space<hbm>>)
    %dma_wait3A_146 = arith.constant 0 : i32
    %dma_wait3A_147 = arith.constant 0 : i32
    %dma_wait3A_148 = tpu.memref_slice %arg4[%dma_wait3A_146, %dma_wait3A_147] : memref<6144x2048xf32, #tpu.memory_space<hbm>> -> memref<6144x2048xf32, #tpu.memory_space<hbm>>
    tpu.wait_indirect_dma semaphore(%arg12 : memref<!tpu.dma_semaphore, #tpu.memory_space<semaphore_mem>>) src(%arg6 : memref<16x2048xf32, #tpu.memory_space<vmem>>) dst(%dma_wait3A_148 : memref<6144x2048xf32, #tpu.memory_space<hbm>>)
    %dma_wait3A_149 = arith.constant 0 : i32
    %dma_wait3A_150 = arith.constant 0 : i32
    %dma_wait3A_151 = tpu.memref_slice %arg4[%dma_wait3A_149, %dma_wait3A_150] : memref<6144x2048xf32, #tpu.memory_space<hbm>> -> memref<6144x2048xf32, #tpu.memory_space<hbm>>
    tpu.wait_indirect_dma semaphore(%arg13 : memref<!tpu.dma_semaphore, #tpu.memory_space<semaphore_mem>>) src(%arg7 : memref<16x2048xf32, #tpu.memory_space<vmem>>) dst(%dma_wait3A_151 : memref<6144x2048xf32, #tpu.memory_space<hbm>>)
    return
  }
}

module attributes {stable_mosaic.version = 14 : i64} {
  func.func @_gmm_body(%arg0: i32, %arg1: memref<64xi32, #tpu.memory_space<smem>>, %arg2: memref<128x2048xf32, #tpu.memory_space<vmem>>, %arg3: memref<1x128x2048xf32, #tpu.memory_space<vmem>>, %arg4: memref<1x1x128xf32, #tpu.memory_space<vmem>>, %arg5: memref<1x128x2048xf32, #tpu.memory_space<vmem>>, %arg6: memref<1x1x128xf32, #tpu.memory_space<vmem>>, %arg7: memref<128x256xf32, #tpu.memory_space<vmem>>) attributes {dimension_semantics = [#tpu.dimension_semantics<arbitrary>], iteration_bounds = array<i64: 48>, scalar_prefetch = 1 : i64, scratch_operands = 0 : i64, tpu.core_type = #tpu.core_type<tc>, window_params = [{transform_indices = @transform_0, window_bounds = array<i64: 128, 2048>}, {transform_indices = @transform_1, window_bounds = array<i64: 1, 128, 2048>}, {transform_indices = @transform_2, window_bounds = array<i64: 1, 1, 128>}, {transform_indices = @transform_3, window_bounds = array<i64: 1, 128, 2048>}, {transform_indices = @transform_4, window_bounds = array<i64: 1, 1, 128>}, {transform_indices = @transform_5, window_bounds = array<i64: 128, 256>}]} {
    %get3A = arith.index_cast %arg0 : i32 to index
    %get3A_0 = memref.load %arg1[%get3A] : memref<64xi32, #tpu.memory_space<smem>>
    %ge3A = arith.constant 0 : i32
    %ge3A_1 = arith.cmpi sge, %get3A_0, %ge3A : i32
    %convert_element_type3A = arith.extui %ge3A_1 : i1 to i32
    %cond3A = arith.constant 0 : i32
    %cond3A_2 = arith.cmpi ne, %convert_element_type3A, %cond3A : i32
    scf.if %cond3A_2 {
      %get3A_3 = arith.constant 0 : index
      %get3A_4 = arith.constant 0 : index
      %get3A_5 = vector.load %arg2[%get3A_3, %get3A_4] : memref<128x2048xf32, #tpu.memory_space<vmem>>, vector<128x2048xf32>
      %convert_element_type3A_6 = arith.truncf %get3A_5 : vector<128x2048xf32> to vector<128x2048xbf16>
      %get3A_7 = arith.constant 0 : index
      %get3A_8 = arith.constant 0 : index
      %get3A_9 = arith.constant 0 : index
      %get3A_10 = vector.load %arg3[%get3A_7, %get3A_8, %get3A_9] : memref<1x128x2048xf32, #tpu.memory_space<vmem>>, vector<1x128x2048xf32>
      %get3A_11 = vector.shape_cast %get3A_10 : vector<1x128x2048xf32> to vector<128x2048xf32>
      %convert_element_type3A_12 = arith.truncf %get3A_11 : vector<128x2048xf32> to vector<128x2048xbf16>
      %dot_general3A = arith.constant dense<0.000000e+00> : vector<128x128xf32>
      %dot_general3A_13 = tpu.matmul %convert_element_type3A_6, %convert_element_type3A_12, %dot_general3A {dimension_numbers = #tpu.dot_dimension_numbers<[1], [1], [0], [0], [0, 0, 1, 0], [], []>, transpose_lhs_hint = false} : vector<128x2048xbf16>, vector<128x2048xbf16>, vector<128x128xf32> -> vector<128x128xf32>
      %get3A_14 = arith.constant 0 : index
      %get3A_15 = arith.constant 0 : index
      %get3A_16 = arith.constant 0 : index
      %get3A_17 = vector.load %arg4[%get3A_14, %get3A_15, %get3A_16] : memref<1x1x128xf32, #tpu.memory_space<vmem>>, vector<1x1x128xf32>
      %get3A_18 = vector.shape_cast %get3A_17 : vector<1x1x128xf32> to vector<128xf32>
      %broadcast_in_dim3A = vector.shape_cast %get3A_18 : vector<128xf32> to vector<1x128xf32>
      %add3A = vector.broadcast %broadcast_in_dim3A : vector<1x128xf32> to vector<128x128xf32>
      %add3A_19 = arith.addf %dot_general3A_13, %add3A : vector<128x128xf32>
      %swap3A = arith.constant 0 : index
      %swap3A_20 = arith.constant 0 : index
      %swap3A_21 = vector.load %arg7[%swap3A, %swap3A_20] : memref<128x256xf32, #tpu.memory_space<vmem>>, vector<128x128xf32>
      tpu.vector_store %arg7[%swap3A, %swap3A_20], %add3A_19 {strides = array<i32>} : memref<128x256xf32, #tpu.memory_space<vmem>>, vector<128x128xf32>,
      %get3A_22 = arith.constant 0 : index
      %get3A_23 = arith.constant 0 : index
      %get3A_24 = arith.constant 0 : index
      %get3A_25 = vector.load %arg5[%get3A_22, %get3A_23, %get3A_24] : memref<1x128x2048xf32, #tpu.memory_space<vmem>>, vector<1x128x2048xf32>
      %get3A_26 = vector.shape_cast %get3A_25 : vector<1x128x2048xf32> to vector<128x2048xf32>
      %convert_element_type3A_27 = arith.truncf %get3A_26 : vector<128x2048xf32> to vector<128x2048xbf16>
      %dot_general3A_28 = arith.constant dense<0.000000e+00> : vector<128x128xf32>
      %dot_general3A_29 = tpu.matmul %convert_element_type3A_6, %convert_element_type3A_27, %dot_general3A_28 {dimension_numbers = #tpu.dot_dimension_numbers<[1], [1], [0], [0], [0, 0, 1, 0], [], []>, transpose_lhs_hint = false} : vector<128x2048xbf16>, vector<128x2048xbf16>, vector<128x128xf32> -> vector<128x128xf32>
      %get3A_30 = arith.constant 0 : index
      %get3A_31 = arith.constant 0 : index
      %get3A_32 = arith.constant 0 : index
      %get3A_33 = vector.load %arg6[%get3A_30, %get3A_31, %get3A_32] : memref<1x1x128xf32, #tpu.memory_space<vmem>>, vector<1x1x128xf32>
      %get3A_34 = vector.shape_cast %get3A_33 : vector<1x1x128xf32> to vector<128xf32>
      %broadcast_in_dim3A_35 = vector.shape_cast %get3A_34 : vector<128xf32> to vector<1x128xf32>
      %add3A_36 = vector.broadcast %broadcast_in_dim3A_35 : vector<1x128xf32> to vector<128x128xf32>
      %add3A_37 = arith.addf %dot_general3A_29, %add3A_36 : vector<128x128xf32>
      %swap3A_38 = arith.constant 0 : index
      %swap3A_39 = arith.constant 128 : index
      %swap3A_40 = vector.load %arg7[%swap3A_38, %swap3A_39] : memref<128x256xf32, #tpu.memory_space<vmem>>, vector<128x128xf32>
      tpu.vector_store %arg7[%swap3A_38, %swap3A_39], %add3A_37 {strides = array<i32>} : memref<128x256xf32, #tpu.memory_space<vmem>>, vector<128x128xf32>,
    } else {
    }
    return
  }
  func.func @transform_0(%arg0: i32, %arg1: memref<64xi32, #tpu.memory_space<smem>>) -> (i32, i32) {
    %get3A = arith.index_cast %arg0 : i32 to index
    %get3A_0 = memref.load %arg1[%get3A] : memref<64xi32, #tpu.memory_space<smem>>
    %ge3A = arith.constant 0 : i32
    %ge3A_1 = arith.cmpi sge, %get3A_0, %ge3A : i32
    %jit3A = arith.constant 0 : i32
    %select_n3A = arith.select %ge3A_1, %arg0, %jit3A : i32
    %c0_i32 = arith.constant 0 : i32
    %c0_i32_2 = arith.constant 0 : i32
    return %select_n3A, %c0_i32 : i32, i32
  }
  func.func @transform_1(%arg0: i32, %arg1: memref<64xi32, #tpu.memory_space<smem>>) -> (i32, i32, i32) {
    %get3A = arith.index_cast %arg0 : i32 to index
    %get3A_0 = memref.load %arg1[%get3A] : memref<64xi32, #tpu.memory_space<smem>>
    %max3A = arith.constant 0 : i32
    %max3A_1 = arith.maxsi %get3A_0, %max3A : i32
    %c0_i32 = arith.constant 0 : i32
    %c0_i32_2 = arith.constant 0 : i32
    %c0_i32_3 = arith.constant 0 : i32
    return %max3A_1, %c0_i32, %c0_i32_2 : i32, i32, i32
  }
  func.func @transform_2(%arg0: i32, %arg1: memref<64xi32, #tpu.memory_space<smem>>) -> (i32, i32, i32) {
    %get3A = arith.index_cast %arg0 : i32 to index
    %get3A_0 = memref.load %arg1[%get3A] : memref<64xi32, #tpu.memory_space<smem>>
    %max3A = arith.constant 0 : i32
    %max3A_1 = arith.maxsi %get3A_0, %max3A : i32
    %c0_i32 = arith.constant 0 : i32
    %c0_i32_2 = arith.constant 0 : i32
    %c0_i32_3 = arith.constant 0 : i32
    return %max3A_1, %c0_i32, %c0_i32_2 : i32, i32, i32
  }
  func.func @transform_3(%arg0: i32, %arg1: memref<64xi32, #tpu.memory_space<smem>>) -> (i32, i32, i32) {
    %get3A = arith.index_cast %arg0 : i32 to index
    %get3A_0 = memref.load %arg1[%get3A] : memref<64xi32, #tpu.memory_space<smem>>
    %max3A = arith.constant 0 : i32
    %max3A_1 = arith.maxsi %get3A_0, %max3A : i32
    %c0_i32 = arith.constant 0 : i32
    %c0_i32_2 = arith.constant 0 : i32
    %c0_i32_3 = arith.constant 0 : i32
    return %max3A_1, %c0_i32, %c0_i32_2 : i32, i32, i32
  }
  func.func @transform_4(%arg0: i32, %arg1: memref<64xi32, #tpu.memory_space<smem>>) -> (i32, i32, i32) {
    %get3A = arith.index_cast %arg0 : i32 to index
    %get3A_0 = memref.load %arg1[%get3A] : memref<64xi32, #tpu.memory_space<smem>>
    %max3A = arith.constant 0 : i32
    %max3A_1 = arith.maxsi %get3A_0, %max3A : i32
    %c0_i32 = arith.constant 0 : i32
    %c0_i32_2 = arith.constant 0 : i32
    %c0_i32_3 = arith.constant 0 : i32
    return %max3A_1, %c0_i32, %c0_i32_2 : i32, i32, i32
  }
  func.func @transform_5(%arg0: i32, %arg1: memref<64xi32, #tpu.memory_space<smem>>) -> (i32, i32) {
    %c0_i32 = arith.constant 0 : i32
    %c0_i32_0 = arith.constant 0 : i32
    return %arg0, %c0_i32 : i32, i32
  }
}

module attributes {stable_mosaic.version = 14 : i64} {
  func.func @_parent_route_body(%arg0: i32, %arg1: memref<1024x2048xf32, #tpu.memory_space<vmem>>, %arg2: memref<16x2048xf32, #tpu.memory_space<vmem>>, %arg3: memref<1x16xf32, #tpu.memory_space<vmem>>, %arg4: memref<1024x16xf32, #tpu.memory_space<vmem>>, %arg5: memref<4096x1xi32, #tpu.memory_space<vmem>>, %arg6: memref<1x64xi32, #tpu.memory_space<vmem>>, %arg7: memref<4096x1xi32, #tpu.memory_space<vmem>>) attributes {dimension_semantics = [#tpu.dimension_semantics<arbitrary>], iteration_bounds = array<i64: 4>, scalar_prefetch = 0 : i64, scratch_operands = 1 : i64, tpu.core_type = #tpu.core_type<tc>, window_params = [{transform_indices = @transform_0, window_bounds = array<i64: 1024, 2048>}, {pipeline_mode = #tpu.pipeline_mode<synchronous>, transform_indices = @transform_1, window_bounds = array<i64: 16, 2048>}, {pipeline_mode = #tpu.pipeline_mode<synchronous>, transform_indices = @transform_2, window_bounds = array<i64: 1, 16>}, {transform_indices = @transform_3, window_bounds = array<i64: 1024, 16>}, {pipeline_mode = #tpu.pipeline_mode<synchronous>, transform_indices = @transform_4, window_bounds = array<i64: 4096, 1>}, {pipeline_mode = #tpu.pipeline_mode<synchronous>, transform_indices = @transform_5, window_bounds = array<i64: 1, 64>}]} {
    %get3A = arith.constant 0 : index
    %get3A_0 = arith.constant 0 : index
    %get3A_1 = vector.load %arg1[%get3A, %get3A_0] : memref<1024x2048xf32, #tpu.memory_space<vmem>>, vector<1024x2048xf32>
    %convert_element_type3A = arith.truncf %get3A_1 : vector<1024x2048xf32> to vector<1024x2048xbf16>
    %get3A_2 = arith.constant 0 : index
    %get3A_3 = arith.constant 0 : index
    %get3A_4 = vector.load %arg2[%get3A_2, %get3A_3] : memref<16x2048xf32, #tpu.memory_space<vmem>>, vector<16x2048xf32>
    %convert_element_type3A_5 = arith.truncf %get3A_4 : vector<16x2048xf32> to vector<16x2048xbf16>
    %dot_general3A = arith.constant dense<0.000000e+00> : vector<1024x16xf32>
    %dot_general3A_6 = tpu.matmul %convert_element_type3A, %convert_element_type3A_5, %dot_general3A {dimension_numbers = #tpu.dot_dimension_numbers<[1], [1], [0], [0], [0, 0, 1, 0], [], []>, transpose_lhs_hint = false} : vector<1024x2048xbf16>, vector<16x2048xbf16>, vector<1024x16xf32> -> vector<1024x16xf32>
    %get3A_7 = arith.constant 0 : index
    %get3A_8 = arith.constant 0 : index
    %get3A_9 = vector.load %arg3[%get3A_7, %get3A_8] : memref<1x16xf32, #tpu.memory_space<vmem>>, vector<1x16xf32>
    %add3A = vector.broadcast %get3A_9 : vector<1x16xf32> to vector<1024x16xf32>
    %add3A_10 = arith.addf %dot_general3A_6, %add3A : vector<1024x16xf32>
    %swap3A = arith.constant 0 : index
    %swap3A_11 = arith.constant 0 : index
    %swap3A_12 = vector.load %arg4[%swap3A, %swap3A_11] : memref<1024x16xf32, #tpu.memory_space<vmem>>, vector<1024x16xf32>
    tpu.vector_store %arg4[%swap3A, %swap3A_11], %add3A_10 {strides = array<i32>} : memref<1024x16xf32, #tpu.memory_space<vmem>>, vector<1024x16xf32>,
    %argmax3A = tpu.reduce_index %add3A_10 {axis = 1 : i32, kind = #tpu.reduction_kind<arg_max>} : vector<1024x16xf32> -> vector<1024xi32>
    %broadcast_in_dim3A = vector.shape_cast %argmax3A : vector<1024xi32> to vector<1024x1xi32>
    %mul3A = arith.constant 1024 : i32
    %mul3A_13 = arith.muli %arg0, %mul3A : i32
    %swap3A_14 = arith.index_cast %mul3A_13 : i32 to index
    %swap3A_15 = arith.constant 0 : index
    %swap3A_16 = vector.load %arg7[%swap3A_14, %swap3A_15] : memref<4096x1xi32, #tpu.memory_space<vmem>>, vector<1024x1xi32>
    tpu.vector_store %arg7[%swap3A_14, %swap3A_15], %broadcast_in_dim3A {strides = array<i32>} : memref<4096x1xi32, #tpu.memory_space<vmem>>, vector<1024x1xi32>,
    %eq3A = arith.constant 3 : i32
    %eq3A_17 = arith.cmpi eq, %arg0, %eq3A : i32
    %convert_element_type3A_18 = arith.extui %eq3A_17 : i1 to i32
    %cond3A = arith.constant 0 : i32
    %cond3A_19 = arith.cmpi ne, %convert_element_type3A_18, %cond3A : i32
    scf.if %cond3A_19 {
      %get3A_20 = arith.constant 0 : index
      %get3A_21 = arith.constant 0 : index
      %get3A_22 = vector.load %arg7[%get3A_20, %get3A_21] : memref<4096x1xi32, #tpu.memory_space<vmem>>, vector<4096x1xi32>
      %iota3A = tpu.iota {dimensions = array<i32: 1>} : vector<4096x16xi32>
      %eq3A_23 = vector.broadcast %get3A_22 : vector<4096x1xi32> to vector<4096x16xi32>
      %eq3A_24 = arith.cmpi eq, %eq3A_23, %iota3A : vector<4096x16xi32>
      %convert_element_type3A_25 = arith.extui %eq3A_24 : vector<4096x16xi1> to vector<4096x16xi32>
      %convert_element_type3A_26 = arith.sitofp %convert_element_type3A_25 : vector<4096x16xi32> to vector<4096x16xf32>
      %broadcast_in_dim3A_27 = arith.constant 0.000000e+00 : f32
      %broadcast_in_dim3A_28 = vector.broadcast %broadcast_in_dim3A_27 : f32 to vector<1x16xf32>
      %slice3A = vector.extract_strided_slice %convert_element_type3A_26 {offsets = [0, 0], sizes = [4095, 16], strides = [1, 1]} : vector<4096x16xf32> to vector<4095x16xf32>
      %concatenate3A = tpu.concatenate %broadcast_in_dim3A_28, %slice3A in 0 : vector<1x16xf32>, vector<4095x16xf32> -> vector<4096x16xf32>
      %add3A_29 = arith.addf %convert_element_type3A_26, %concatenate3A : vector<4096x16xf32>
      %broadcast_in_dim3A_30 = arith.constant 0.000000e+00 : f32
      %broadcast_in_dim3A_31 = vector.broadcast %broadcast_in_dim3A_30 : f32 to vector<2x16xf32>
      %slice3A_32 = vector.extract_strided_slice %add3A_29 {offsets = [0, 0], sizes = [4094, 16], strides = [1, 1]} : vector<4096x16xf32> to vector<4094x16xf32>
      %concatenate3A_33 = tpu.concatenate %broadcast_in_dim3A_31, %slice3A_32 in 0 : vector<2x16xf32>, vector<4094x16xf32> -> vector<4096x16xf32>
      %add3A_34 = arith.addf %add3A_29, %concatenate3A_33 : vector<4096x16xf32>
      %broadcast_in_dim3A_35 = arith.constant 0.000000e+00 : f32
      %broadcast_in_dim3A_36 = vector.broadcast %broadcast_in_dim3A_35 : f32 to vector<4x16xf32>
      %slice3A_37 = vector.extract_strided_slice %add3A_34 {offsets = [0, 0], sizes = [4092, 16], strides = [1, 1]} : vector<4096x16xf32> to vector<4092x16xf32>
      %concatenate3A_38 = tpu.concatenate %broadcast_in_dim3A_36, %slice3A_37 in 0 : vector<4x16xf32>, vector<4092x16xf32> -> vector<4096x16xf32>
      %add3A_39 = arith.addf %add3A_34, %concatenate3A_38 : vector<4096x16xf32>
      %broadcast_in_dim3A_40 = arith.constant 0.000000e+00 : f32
      %broadcast_in_dim3A_41 = vector.broadcast %broadcast_in_dim3A_40 : f32 to vector<8x16xf32>
      %slice3A_42 = vector.extract_strided_slice %add3A_39 {offsets = [0, 0], sizes = [4088, 16], strides = [1, 1]} : vector<4096x16xf32> to vector<4088x16xf32>
      %concatenate3A_43 = tpu.concatenate %broadcast_in_dim3A_41, %slice3A_42 in 0 : vector<8x16xf32>, vector<4088x16xf32> -> vector<4096x16xf32>
      %add3A_44 = arith.addf %add3A_39, %concatenate3A_43 : vector<4096x16xf32>
      %broadcast_in_dim3A_45 = arith.constant 0.000000e+00 : f32
      %broadcast_in_dim3A_46 = vector.broadcast %broadcast_in_dim3A_45 : f32 to vector<16x16xf32>
      %slice3A_47 = vector.extract_strided_slice %add3A_44 {offsets = [0, 0], sizes = [4080, 16], strides = [1, 1]} : vector<4096x16xf32> to vector<4080x16xf32>
      %concatenate3A_48 = tpu.concatenate %broadcast_in_dim3A_46, %slice3A_47 in 0 : vector<16x16xf32>, vector<4080x16xf32> -> vector<4096x16xf32>
      %add3A_49 = arith.addf %add3A_44, %concatenate3A_48 : vector<4096x16xf32>
      %broadcast_in_dim3A_50 = arith.constant 0.000000e+00 : f32
      %broadcast_in_dim3A_51 = vector.broadcast %broadcast_in_dim3A_50 : f32 to vector<32x16xf32>
      %slice3A_52 = vector.extract_strided_slice %add3A_49 {offsets = [0, 0], sizes = [4064, 16], strides = [1, 1]} : vector<4096x16xf32> to vector<4064x16xf32>
      %concatenate3A_53 = tpu.concatenate %broadcast_in_dim3A_51, %slice3A_52 in 0 : vector<32x16xf32>, vector<4064x16xf32> -> vector<4096x16xf32>
      %add3A_54 = arith.addf %add3A_49, %concatenate3A_53 : vector<4096x16xf32>
      %broadcast_in_dim3A_55 = arith.constant 0.000000e+00 : f32
      %broadcast_in_dim3A_56 = vector.broadcast %broadcast_in_dim3A_55 : f32 to vector<64x16xf32>
      %slice3A_57 = vector.extract_strided_slice %add3A_54 {offsets = [0, 0], sizes = [4032, 16], strides = [1, 1]} : vector<4096x16xf32> to vector<4032x16xf32>
      %concatenate3A_58 = tpu.concatenate %broadcast_in_dim3A_56, %slice3A_57 in 0 : vector<64x16xf32>, vector<4032x16xf32> -> vector<4096x16xf32>
      %add3A_59 = arith.addf %add3A_54, %concatenate3A_58 : vector<4096x16xf32>
      %broadcast_in_dim3A_60 = arith.constant 0.000000e+00 : f32
      %broadcast_in_dim3A_61 = vector.broadcast %broadcast_in_dim3A_60 : f32 to vector<128x16xf32>
      %slice3A_62 = vector.extract_strided_slice %add3A_59 {offsets = [0, 0], sizes = [3968, 16], strides = [1, 1]} : vector<4096x16xf32> to vector<3968x16xf32>
      %concatenate3A_63 = tpu.concatenate %broadcast_in_dim3A_61, %slice3A_62 in 0 : vector<128x16xf32>, vector<3968x16xf32> -> vector<4096x16xf32>
      %add3A_64 = arith.addf %add3A_59, %concatenate3A_63 : vector<4096x16xf32>
      %broadcast_in_dim3A_65 = arith.constant 0.000000e+00 : f32
      %broadcast_in_dim3A_66 = vector.broadcast %broadcast_in_dim3A_65 : f32 to vector<256x16xf32>
      %slice3A_67 = vector.extract_strided_slice %add3A_64 {offsets = [0, 0], sizes = [3840, 16], strides = [1, 1]} : vector<4096x16xf32> to vector<3840x16xf32>
      %concatenate3A_68 = tpu.concatenate %broadcast_in_dim3A_66, %slice3A_67 in 0 : vector<256x16xf32>, vector<3840x16xf32> -> vector<4096x16xf32>
      %add3A_69 = arith.addf %add3A_64, %concatenate3A_68 : vector<4096x16xf32>
      %broadcast_in_dim3A_70 = arith.constant 0.000000e+00 : f32
      %broadcast_in_dim3A_71 = vector.broadcast %broadcast_in_dim3A_70 : f32 to vector<512x16xf32>
      %slice3A_72 = vector.extract_strided_slice %add3A_69 {offsets = [0, 0], sizes = [3584, 16], strides = [1, 1]} : vector<4096x16xf32> to vector<3584x16xf32>
      %concatenate3A_73 = tpu.concatenate %broadcast_in_dim3A_71, %slice3A_72 in 0 : vector<512x16xf32>, vector<3584x16xf32> -> vector<4096x16xf32>
      %add3A_74 = arith.addf %add3A_69, %concatenate3A_73 : vector<4096x16xf32>
      %broadcast_in_dim3A_75 = arith.constant 0.000000e+00 : f32
      %broadcast_in_dim3A_76 = vector.broadcast %broadcast_in_dim3A_75 : f32 to vector<1024x16xf32>
      %slice3A_77 = vector.extract_strided_slice %add3A_74 {offsets = [0, 0], sizes = [3072, 16], strides = [1, 1]} : vector<4096x16xf32> to vector<3072x16xf32>
      %concatenate3A_78 = tpu.concatenate %broadcast_in_dim3A_76, %slice3A_77 in 0 : vector<1024x16xf32>, vector<3072x16xf32> -> vector<4096x16xf32>
      %add3A_79 = arith.addf %add3A_74, %concatenate3A_78 : vector<4096x16xf32>
      %broadcast_in_dim3A_80 = arith.constant 0.000000e+00 : f32
      %broadcast_in_dim3A_81 = vector.broadcast %broadcast_in_dim3A_80 : f32 to vector<2048x16xf32>
      %slice3A_82 = vector.extract_strided_slice %add3A_79 {offsets = [0, 0], sizes = [2048, 16], strides = [1, 1]} : vector<4096x16xf32> to vector<2048x16xf32>
      %concatenate3A_83 = tpu.concatenate %broadcast_in_dim3A_81, %slice3A_82 in 0 : vector<2048x16xf32>, vector<2048x16xf32> -> vector<4096x16xf32>
      %add3A_84 = arith.addf %add3A_79, %concatenate3A_83 : vector<4096x16xf32>
      %broadcast_in_dim3A_85 = arith.constant 1.000000e+00 : f32
      %broadcast_in_dim3A_86 = vector.broadcast %broadcast_in_dim3A_85 : f32 to vector<4096x1xf32>
      %dot_general3A_87 = arith.constant dense<0.000000e+00> : vector<16x1xf32>
      %dot_general3A_88 = tpu.matmul %convert_element_type3A_26, %broadcast_in_dim3A_86, %dot_general3A_87 {dimension_numbers = #tpu.dot_dimension_numbers<[0], [0], [1], [1], [0, 1, 1, 1], [], []>, transpose_lhs_hint = false} : vector<4096x16xf32>, vector<4096x1xf32>, vector<16x1xf32> -> vector<16x1xf32>
      %add3A_89 = arith.constant 1.270000e+02 : f32
      %add3A_90 = vector.broadcast %add3A_89 : f32 to vector<16x1xf32>
      %add3A_91 = arith.addf %dot_general3A_88, %add3A_90 : vector<16x1xf32>
      %mul3A_92 = arith.constant 7.812500e-03 : f32
      %mul3A_93 = vector.broadcast %mul3A_92 : f32 to vector<16x1xf32>
      %mul3A_94 = arith.mulf %add3A_91, %mul3A_93 : vector<16x1xf32>
      %floor3A = math.floor %mul3A_94 : vector<16x1xf32>
      %iota3A_95 = tpu.iota {dimensions = array<i32: 0>} : vector<16x16xi32>
      %iota3A_96 = tpu.iota {dimensions = array<i32: 1>} : vector<16x16xi32>
      %lt3A = arith.cmpi slt, %iota3A_96, %iota3A_95 : vector<16x16xi32>
      %convert_element_type3A_97 = arith.extui %lt3A : vector<16x16xi1> to vector<16x16xi32>
      %convert_element_type3A_98 = arith.sitofp %convert_element_type3A_97 : vector<16x16xi32> to vector<16x16xf32>
      %dot_general3A_99 = arith.constant dense<0.000000e+00> : vector<16x1xf32>
      %dot_general3A_100 = tpu.matmul %convert_element_type3A_98, %floor3A, %dot_general3A_99 {dimension_numbers = #tpu.dot_dimension_numbers<[1], [0], [0], [1], [0, 0, 1, 1], [], []>, transpose_lhs_hint = false} : vector<16x16xf32>, vector<16x1xf32>, vector<16x1xf32> -> vector<16x1xf32>
      %mul3A_101 = arith.constant 1.280000e+02 : f32
      %mul3A_102 = vector.broadcast %mul3A_101 : f32 to vector<16x1xf32>
      %mul3A_103 = arith.mulf %dot_general3A_100, %mul3A_102 : vector<16x1xf32>
      %mul3A_104 = arith.mulf %add3A_84, %convert_element_type3A_26 : vector<4096x16xf32>
      %reduce_sum3A = arith.constant dense<0.000000e+00> : vector<4096xf32>
      %reduce_sum3A_105 = vector.multi_reduction <add>, %mul3A_104, %reduce_sum3A [1] : vector<4096x16xf32> to vector<4096xf32>
      %broadcast_in_dim3A_106 = vector.shape_cast %reduce_sum3A_105 : vector<4096xf32> to vector<4096x1xf32>
      %sub3A = arith.constant 1.000000e+00 : f32
      %sub3A_107 = vector.broadcast %sub3A : f32 to vector<4096x1xf32>
      %sub3A_108 = arith.subf %broadcast_in_dim3A_106, %sub3A_107 : vector<4096x1xf32>
      %dot_general3A_109 = arith.constant dense<0.000000e+00> : vector<4096x1xf32>
      %dot_general3A_110 = tpu.matmul %convert_element_type3A_26, %mul3A_103, %dot_general3A_109 {dimension_numbers = #tpu.dot_dimension_numbers<[1], [0], [0], [1], [0, 0, 1, 1], [], []>, transpose_lhs_hint = false} : vector<4096x16xf32>, vector<16x1xf32>, vector<4096x1xf32> -> vector<4096x1xf32>
      %add3A_111 = arith.addf %dot_general3A_110, %sub3A_108 : vector<4096x1xf32>
      %convert_element_type3A_112 = arith.fptosi %add3A_111 : vector<4096x1xf32> to vector<4096x1xi32>
      %swap3A_113 = arith.constant 0 : index
      %swap3A_114 = arith.constant 0 : index
      %swap3A_115 = vector.load %arg5[%swap3A_113, %swap3A_114] : memref<4096x1xi32, #tpu.memory_space<vmem>>, vector<4096x1xi32>
      tpu.vector_store %arg5[%swap3A_113, %swap3A_114], %convert_element_type3A_112 {strides = array<i32>} : memref<4096x1xi32, #tpu.memory_space<vmem>>, vector<4096x1xi32>,
      %reduce_sum3A_116 = vector.shape_cast %floor3A : vector<16x1xf32> to vector<1x16x1xf32>
      %reduce_sum3A_117 = arith.constant dense<0.000000e+00> : vector<1xf32>
      %reduce_sum3A_118 = vector.multi_reduction <add>, %reduce_sum3A_116, %reduce_sum3A_117 [1, 2] : vector<1x16x1xf32> to vector<1xf32>
      %reduce_sum3A_119 = vector.shape_cast %reduce_sum3A_118 : vector<1xf32> to vector<1x1x1xf32>
      %reduce_sum3A_120 = vector.extract %reduce_sum3A_119[0, 0, 0] : f32 from vector<1x1x1xf32>
      %iota3A_121 = tpu.iota {dimensions = array<i32: 1>} : vector<16x64xi32>
      %convert_element_type3A_122 = arith.sitofp %iota3A_121 : vector<16x64xi32> to vector<16x64xf32>
      %le3A = vector.broadcast %dot_general3A_100 : vector<16x1xf32> to vector<16x64xf32>
      %le3A_123 = arith.cmpf ole, %le3A, %convert_element_type3A_122 : vector<16x64xf32>
      %convert_element_type3A_124 = arith.extui %le3A_123 : vector<16x64xi1> to vector<16x64xi32>
      %convert_element_type3A_125 = arith.sitofp %convert_element_type3A_124 : vector<16x64xi32> to vector<16x64xf32>
      %reduce_sum3A_126 = arith.constant dense<0.000000e+00> : vector<64xf32>
      %reduce_sum3A_127 = vector.multi_reduction <add>, %convert_element_type3A_125, %reduce_sum3A_126 [0] : vector<16x64xf32> to vector<64xf32>
      %broadcast_in_dim3A_128 = vector.shape_cast %reduce_sum3A_127 : vector<64xf32> to vector<1x64xf32>
      %sub3A_129 = arith.constant 1.000000e+00 : f32
      %sub3A_130 = vector.broadcast %sub3A_129 : f32 to vector<1x64xf32>
      %sub3A_131 = arith.subf %broadcast_in_dim3A_128, %sub3A_130 : vector<1x64xf32>
      %slice3A_132 = vector.extract_strided_slice %convert_element_type3A_122 {offsets = [0, 0], sizes = [1, 64], strides = [1, 1]} : vector<16x64xf32> to vector<1x64xf32>
      %lt3A_133 = vector.broadcast %reduce_sum3A_120 : f32 to vector<1x64xf32>
      %lt3A_134 = arith.cmpf olt, %slice3A_132, %lt3A_133 : vector<1x64xf32>
      %jit3A = arith.constant -1.000000e+00 : f32
      %broadcast_in_dim3A_135 = vector.broadcast %jit3A : f32 to vector<1x64xf32>
      %select_n3A = arith.select %lt3A_134, %sub3A_131, %broadcast_in_dim3A_135 : vector<1x64xi1>, vector<1x64xf32>
      %convert_element_type3A_136 = arith.fptosi %select_n3A : vector<1x64xf32> to vector<1x64xi32>
      %swap3A_137 = arith.constant 0 : index
      %swap3A_138 = arith.constant 0 : index
      %swap3A_139 = vector.load %arg6[%swap3A_137, %swap3A_138] : memref<1x64xi32, #tpu.memory_space<vmem>>, vector<1x64xi32>
      tpu.vector_store %arg6[%swap3A_137, %swap3A_138], %convert_element_type3A_136 {strides = array<i32>} : memref<1x64xi32, #tpu.memory_space<vmem>>, vector<1x64xi32>,
    } else {
    }
    return
  }
  func.func @transform_0(%arg0: i32) -> (i32, i32) {
    %c0_i32 = arith.constant 0 : i32
    %c0_i32_0 = arith.constant 0 : i32
    return %arg0, %c0_i32 : i32, i32
  }
  func.func @transform_1(%arg0: i32) -> (i32, i32) {
    %c0_i32 = arith.constant 0 : i32
    %c0_i32_0 = arith.constant 0 : i32
    %c0_i32_1 = arith.constant 0 : i32
    return %c0_i32, %c0_i32_0 : i32, i32
  }
  func.func @transform_2(%arg0: i32) -> (i32, i32) {
    %c0_i32 = arith.constant 0 : i32
    %c0_i32_0 = arith.constant 0 : i32
    %c0_i32_1 = arith.constant 0 : i32
    return %c0_i32, %c0_i32_0 : i32, i32
  }
  func.func @transform_3(%arg0: i32) -> (i32, i32) {
    %c0_i32 = arith.constant 0 : i32
    %c0_i32_0 = arith.constant 0 : i32
    return %arg0, %c0_i32 : i32, i32
  }
  func.func @transform_4(%arg0: i32) -> (i32, i32) {
    %c0_i32 = arith.constant 0 : i32
    %c0_i32_0 = arith.constant 0 : i32
    %c0_i32_1 = arith.constant 0 : i32
    return %c0_i32, %c0_i32_0 : i32, i32
  }
  func.func @transform_5(%arg0: i32) -> (i32, i32) {
    %c0_i32 = arith.constant 0 : i32
    %c0_i32_0 = arith.constant 0 : i32
    %c0_i32_1 = arith.constant 0 : i32
    return %c0_i32, %c0_i32_0 : i32, i32
  }
}

</mosaic_0001>

<sc_bundles>
// kernel: kernel.6.cloned.1.call-start
scs
__scs_entry_jumppad:
0x0: {  	(pc) =	sbr.rel $0x88, $3  }
0x1: {  	(tag) =	ssettag $0x0;
	lr =	simm.s32 $0x1  }
0x2: {  	[smem:$0x3F9A] =	sst lr;
	_ =	strace $0xD0000000  }
0x3: {  	_ = 	snop  }
0x4: {  	_ = 	snop  }
0x5: {  	_ = 	snop  }
0x6: {  	_ = 	snop  }
0x7: {  	_ = 	snop  }
__scs_overlays_trampoline_lowered:
0x8: {  	[smem:$0x3FA9] =	sst s0  }
0x9: {  	[smem:$0x3FAA] =	sst s1  }
0xa: {  	[smem:$0x3FAB] =	sst s2  }
0xb: {  	[smem:$0x3FAC] =	sst s3  }
0xc: {  	[smem:$0x3FAD] =	sst s4  }
0xd: {  	[smem:$0x3FAE] =	sst s5  }
0xe: {  	[smem:$0x3FAF] =	sst s6  }
0xf: {  	[smem:$0x3FB0] =	sst s7  }
0x10: {  	[smem:$0x3FB1] =	sst s8  }
0x11: {  	[smem:$0x3FB2] =	sst s9;
	s0 =	simm.s32 @!p0 $0x0  }
0x12: {  	s1 =	sld [smem:$0x3F98];
	s0 =	simm.s32 @p0 $0x1  }
0x13: {  	[smem:$0x3FB3] =	sst s0;
	s0 =	simm.s32 @!p1 $0x0  }
0x14: {  	s2 =	sld [smem:$0x3F97];
	s0 =	simm.s32 @p1 $0x1  }
0x15: {  	[smem:$0x3FB4] =	sst s0;
	s0 =	simm.s32 @!p2 $0x0  }
0x16: {  	s3 =	sld [smem:$0x3FDB];
	s0 =	simm.s32 @p2 $0x1  }
0x17: {  	s4 =	simm.s32 $0x1BF5;
	[smem:$0x3FB6] =	sst s0  }
0x18: {  	s0 =	sld [smem:$0x3F99];
	_ =	swait.ge [sflag:s4], $0x0  }
0x19: {  	s7 =	sld [smem:$0x3F9A]  }
0x1a: {  	s8 =	sadd.s32 $0xFFFFE003, lr  }
0x1b: {  	s9 =	sadd.s32 $0xFFFFFEF7, lr;
	s5 =	simm.s32 $0xFFFFFFFF;
	p2 =	slt.u32 s8, $0xFFFFF086  }
0x1c: {  	p1 =	slt.u32 s9, $0xF7A;
	s5 =	simm.s32 @!p2 $0x0  }
0x1d: {  	s5 =	simm.s32 @p1 $0x1;
	p0 =	seq.s32 s7, s2  }
0x1e: {  	s7 =	smul.u32 @!p0 $0xF7A, s2;
	p2 =	seq.s32 @!p0 s5, $0x0  }
0x1f: {  	s9 =	smul.u32 $0xF7A, s1;
	s8 =	simm.s32 @!p0 $0x1BF5;
	p2 =	por !p2, p0  }
0x20: {  	[sflag:s8] =	ssyncset.s32 @!p0 $0xFFFFF086;
	s6 =	sadd.s32 @!p0 s3, s7;
	s7 =	simm.s32 @!p0 $0x108  }
0x21: {  	s3 =	sadd.s32 s3, s9;
	s6 =	sadd.s32 @!p0 $0x88, s6;
	s7 =	simm.s32 @p2 $0x1082  }
0x22: {  	[simem:s7], [sflag:s8] =	dma.local @!p0 [hbm:s6], $0xF7A  }
0x23: {  	s9 =	sor.u32 $0xD0000000, s2;
	s6 =	simm.s32 $0x108;
	_ =	swait.ge @!p0 [sflag:s8], $0x0  }
0x24: {  	s3 =	sadd.s32 $0x88, s3;
	s6 =	simm.s32 @!p1 $0x1082;
	[sflag:s4] =	ssyncset.s32 $0xFFFFF086  }
0x25: {  	[simem:s6], [sflag:s4] =	dma.local [hbm:s3], $0xF7A  }
0x26: {  	[smem:$0x3F9A] =	sst s1;
	(tag) =	ssettag s2;
	_ =	strace s9  }
0x27: {  	s1 =	sld [smem:$0x3FAA]  }
0x28: {  	s2 =	sld [smem:$0x3FAB]  }
0x29: {  	s4 =	sld [smem:$0x3FAD]  }
0x2a: {  	p0 =	seq.s32 s5, $0x0;
	s5 =	sld [smem:$0x3FAE]  }
0x2b: {  	s6 =	sld [smem:$0x3FAF]  }
0x2c: {  	s7 =	sld [smem:$0x3FB0]  }
0x2d: {  	s3 =	simm.s32 $0x108;
	s8 =	sld [smem:$0x3FB1]  }
0x2e: {  	s3 =	simm.s32 @!p0 $0x1082;
	s9 =	sld [smem:$0x3FB2]  }
0x2f: {  	lr =	sadd.s32 s0, s3;
	s0 =	sld [smem:$0x3FA9]  }
0x30: {  	s3 =	sld [smem:$0x3FAC]  }
0x31: {  	[smem:$0x3FB5] =	sst s10  }
0x32: {  	s10 =	sld [smem:$0x3FB3];
	_ =	sdelay $0x3  }
0x33: {  	p0 =	seq.s32 s10, $0x1;
	s10 =	sld [smem:$0x3FB5];
	_ =	sdelay $0x3  }
0x34: {  	[smem:$0x3FB5] =	sst s10  }
0x35: {  	s10 =	sld [smem:$0x3FB4];
	_ =	sdelay $0x3  }
0x36: {  	p1 =	seq.s32 s10, $0x1;
	s10 =	sld [smem:$0x3FB5];
	_ =	sdelay $0x3  }
0x37: {  	[smem:$0x3FB5] =	sst s10  }
0x38: {  	s10 =	sld [smem:$0x3FB6]  }
0x39: {  	_ = 	snop;
	(pc) =	sbr.ind lr, $3  }
0x3a: {  	_ = 	snop  }
0x3b: {  	_ = 	snop  }
0x3c: {  	p2 =	seq.s32 s10, $0x1;
	s10 =	sld [smem:$0x3FB5]  }
0x3d: {  	_ =	shalt  }
0x3e: {  	_ =	shalt  }
0x3f: {  	_ =	shalt  }
0x40: {  	_ =	shalt  }
0x41: {  	_ =	shalt  }
0x42: {  	_ =	shalt  }
0x43: {  	_ =	shalt  }
0x44: {  	_ =	shalt  }
0x45: {  	_ =	shalt  }
0x46: {  	_ =	shalt  }
0x47: {  	_ =	shalt  }
0x48: {  	_ =	shalt  }
0x49: {  	_ =	shalt  }
0x4a: {  	_ =	shalt  }
0x4b: {  	_ =	shalt  }
0x4c: {  	_ =	shalt  }
0x4d: {  	_ =	shalt  }
0x4e: {  	_ =	shalt  }
0x4f: {  	_ =	shalt  }
0x50: {  	_ =	shalt  }
0x51: {  	_ =	shalt  }
0x52: {  	_ =	shalt  }
0x53: {  	_ =	shalt  }
0x54: {  	_ =	shalt  }
0x55: {  	_ =	shalt  }
0x56: {  	_ =	shalt  }
0x57: {  	_ =	shalt  }
0x58: {  	_ =	shalt  }
0x59: {  	_ =	shalt  }
0x5a: {  	_ =	shalt  }
0x5b: {  	_ =	shalt  }
0x5c: {  	_ =	shalt  }
0x5d: {  	_ =	shalt  }
0x5e: {  	_ =	shalt  }
0x5f: {  	_ =	shalt  }
0x60: {  	_ =	shalt  }
0x61: {  	_ =	shalt  }
0x62: {  	_ =	shalt  }
0x63: {  	_ =	shalt  }
0x64: {  	_ =	shalt  }
0x65: {  	_ =	shalt  }
0x66: {  	_ =	shalt  }
0x67: {  	_ =	shalt  }
0x68: {  	_ =	shalt  }
0x69: {  	_ =	shalt  }
0x6a: {  	_ =	shalt  }
0x6b: {  	_ =	shalt  }
0x6c: {  	_ =	shalt  }
0x6d: {  	_ =	shalt  }
0x6e: {  	_ =	shalt  }
0x6f: {  	_ =	shalt  }
0x70: {  	_ =	shalt  }
0x71: {  	_ =	shalt  }
0x72: {  	_ =	shalt  }
0x73: {  	_ =	shalt  }
0x74: {  	_ =	shalt  }
0x75: {  	_ =	shalt  }
0x76: {  	_ =	shalt  }
0x77: {  	_ =	shalt  }
0x78: {  	_ =	shalt  }
0x79: {  	_ =	shalt  }
0x7a: {  	_ =	shalt  }
0x7b: {  	_ =	shalt  }
0x7c: {  	_ =	shalt  }
0x7d: {  	_ =	shalt  }
0x7e: {  	_ =	shalt  }
0x7f: {  	_ =	shalt  }
0x80: {  	_ =	shalt  }
0x81: {  	_ =	shalt  }
0x82: {  	_ =	shalt  }
0x83: {  	_ =	shalt  }
0x84: {  	_ =	shalt  }
0x85: {  	_ =	shalt  }
0x86: {  	_ =	shalt  }
0x87: {  	_ =	shalt  }
.Lfunc_end0:
.L_simem_size_0:
called_computation_lowered:
.L_overlay_start_0:
0x88: {  	s2 =	sld [smem:$0x3FD9]  }
0x89: {  	s3 =	sld [smem:$0x3FFE];
	_ =	sdelay $0x1  }
0x8a: {  	s1 =	srdreg.scid  }
0x8b: {  	s0 =	sand.u32 $0x1, s1  }
0x8c: {  	s17 =	sshll.u32 s0, $0xA;
	s2 =	sadd.s32 s3, s2  }
0x8d: {  	s2 =	sadd.s32 s2, s17  }
0x8e: {  	[smem:$0x3FC1] =	sst s2  }
0x8f: {  	_ = 	snop  }
0x90: {  	s2 =	sld [smem:$0x3FC9];
	(tm) =	ssettm $0x1  }
0x91: {  	s18 =	sld [smem:$0x3FFB];
	_ =	sdelay $0x3  }
0x92: {  	_ =	strace s18  }
0x93: {  	s3 =	sld [smem:$0x3FFC];
	_ =	sdelay $0x3  }
0x94: {  	_ =	strace s3  }
0x95: {  	s3 =	sld [smem:$0x3FFD];
	_ =	sdelay $0x3  }
0x96: {  	_ =	strace s3  }
0x97: {  	_ =	strace $0x8FFFFFFF  }
0x98: {  	s19 =	sld [smem:$0x3FDB];
	_ =	sdelay $0x1  }
0x99: {  	s4 =	simm.s32 $_scs_section_size  }
0x9a: {  	s5 =	simm.s32 $_size__tile_overlayer_lowered;
	s6 =	simm.s32 $_tile_overlayer_lowered  }
0x9b: {  	s22 =	simm.s32 $0x1BFF;
	s21 =	sshll.u32 s6, $0x1;
	s3 =	sadd.s32 s4, s19  }
0x9c: {  	s7 =	simm.s32 $0x0;
	s20 =	sshll.u32 s5, $0x1;
	s5 =	sadd.s32 s21, s3  }
0x9d: {  	[timem:s7], [sflag:s22] =	dma.local [hbm:s5], s20  }
0x9e: {  	_ =	swait.ge [sflag:s22], s20  }
0x9f: {  	s4 =	ssub.s32 $0x0, s20;
	[sflag:s22] =	ssyncset.done $0x0  }
0xa0: {  	[sflag:s22] =	ssyncadd.s32 s4;
	_ =	sdelay $0x1  }
0xa1: {  	s23 =	simm.s32 $0x1B8B  }
0xa2: {  	_ =	swait.ge [sflag:s23], $0x1  }
0xa3: {  	[sflag:s23] =	ssyncset.done $0x0  }
0xa4: {  	s25 =	simm.s32 $0x1B8E;
	s24 =	sld [smem:$0x3FFE];
	[sflag:s23] =	ssyncadd.s32 $0xFFFFFFFF  }
0xa5: {  	s26 =	simm.s32 $execute0_lowered;
	[smem:$0x3FD2] =	sst s25  }
0xa6: {  	s5 =	sshll.u32 s26, $0x1;
	_ =	strace $0x80000046;
	[dreg:$0x1] =	wrdreg $0xFFFFFFFF  }
0xa7: {  	s28 =	simm.s32 $_size_execute0_lowered;
	s3 =	sadd.s32 s3, s5;
	[dreg:$0x0] =	wrdreg $0x0  }
0xa8: {  	s5 =	sshll.u32 s28, $0x1;
	[dreg:$0x2] =	wrdreg s3  }
0xa9: {  	[dreg:$0x3] =	wrdreg s5  }
0xaa: {  	[dreg:$0x4] =	wrdreg $0xC0  }
0xab: {  	_ =	task [dreg:s7], $0x5FFFF  }
0xac: {  	[dreg:$0x1] =	wrdreg $0xFFFFFFFF  }
0xad: {  	[dreg:$0x0] =	wrdreg $0x60  }
0xae: {  	[dreg:$0x2] =	wrdreg s2  }
0xaf: {  	[dreg:$0x3] =	wrdreg s24  }
0xb0: {  	[dreg:$0x4] =	wrdreg $0x9  }
0xb1: {  	_ =	task.clear_ibuf [dreg:s7], $0x5FFFF;
	_ =	strace $0x90000046  }
0xb2: {  	s29 =	simm.s32 $0x9;
	_ =	strace $0x80000048  }
0xb3: {  	_ =	swait.ge [sflag:s29], $0x1  }
0xb4: {  	[sflag:s29] =	ssyncadd.s32 $0xFFFFFFFF  }
0xb5: {  	_ =	strace $0x90000048  }
0xb6: {  	_ =	sfence  }
0xb7: {  	s30 =	sld [smem:$0x0];
	_ =	sdelay $0x2  }
0xb8: {  	s31 =	sshll.u32 s1, $0xD;
	s1 =	sshrl.u32 s1, $0x2  }
0xb9: {  	s3 =	sand.u32 $0x4000, s31;
	s1 =	sadd.s32 s1, s30  }
0xba: {  	s0 =	sor.u32 s3, s0;
	s1 =	sshll.u32 s1, $0x11  }
0xbb: {  	s0 =	sor.u32 s1, s0  }
0xbc: {  	s0 =	sadd.s32 $0x8F2B, s0  }
0xbd: {  	[sflag:s0] =	ssyncadd.remote.s32 $0x1  }
0xbe: {  	_ =	sfence.sel $0xFFFF  }
0xbf: {  	[dreg:$0x0] =	wrdreg $0xFFFFFFFF;
	(pc) =	sbr.abs _section_cstart, $3  }
0xc0: {  	[dreg:$0x1] =	wrdreg $0xFFFFFFFF  }
0xc1: {  	_ =	task.clear_ibuf [dreg:s7], $0x2FFFF;
	_ =	strace $0x9FFFFFFF  }
0xc2: {  	(tm) =	ssettm $0x7FFFFFFF  }
0xc3: {  	_ =	shalt  }
tec
execute0_lowered:
.L_overlay_start_1:
0x0: {  	(tag) =	ssettag $0x1  }
0x1: {  	s0 =	srdreg.scid  }
0x2: {  	s1 =	rddreg [dreg:$0x0];
	s2 =	stileid.u32  }
0x3: {  	s4 =	rddreg [dreg:$0x1];
	s19 =	simm.s32 $0x4;
	s13 =	simm.s32 $0x2  }
0x4: {  	s18 =	simm.s32 $0x5;
	s15 =	simm.s32 $0x80;
	s17 =	simm.s32 $0x6  }
0x5: {  	s28 =	simm.s32 $0xD880;
	s29 =	simm.s32 $0xE080;
	s30 =	simm.s32 $0xE880  }
0x6: {  	s31 =	simm.s32 $0xF080;
	s0 =	sand.u32 $0x1, s0;
	s3 =	sshll.u32 s2, $0x8  }
0x7: {  	s2 =	simm.s32 $0x0;
	s7 =	sadd.s32 $0x1900, s4;
	s5 =	sshll.u32 s0, $0x7  }
0x8: {  	s8 =	sadd.s32 $0x1A00, s4;
	s9 =	sadd.s32 $0x1B00, s4;
	s3 =	sor.u32 s5, s3  }
0x9: {  	s10 =	sadd.s32 $0x1C00, s4;
	s5 =	sshrl.u32 s3, $0x3;
	s6 =	sshll.u32 s3, $0x8  }
0xa: {  	[smem:$0x7FF] =	sst s2;
	s5 =	sadd.s32 s5, s4;
	s12 =	sadd.s32 s1, s6  }
0xb: {  	_ =	strace $0x80000047;
	s5 =	sadd.s32 $0x1400, s5;
	[dreg:$0xb] =	wrdreg s12  }
0xc: {  	s11 =	sadd.s32 $0x1D00, s4;
	s1 =	sadd.s32 $0x1000, s12;
	[dreg:$0x3] =	wrdreg s5  }
0xd: {  	s0 =	ssub.s32 $0x2, s0;
	s21 =	sadd.s32 $0x2000, s12;
	[dreg:$0x4] =	wrdreg s1  }
0xe: {  	s20 =	sshrl.u32 s0, $0x1;
	s22 =	sadd.s32 $0x3000, s12;
	[dreg:$0x5] =	wrdreg s21  }
0xf: {  	s3 =	sadd.s32 $0x1600, s4;
	s23 =	sadd.s32 $0x4000, s12;
	[dreg:$0x6] =	wrdreg s22  }
0x10: {  	s0 =	ssub.s32 s0, s20;
	s24 =	sadd.s32 $0x5000, s12;
	[dreg:$0x7] =	wrdreg s23  }
0x11: {  	v2 =	vlaneseq.u32;
	s6 =	sadd.s32 $0x1800, s4;
	s25 =	sadd.s32 $0x6000, s12;
	[dreg:$0x8] =	wrdreg s24  }
0x12: {  	vm0 =	vmmov $0xffff;
	v1 =	vshrl.u32 v2, $0x3;
	s26 =	sadd.s32 $0x7000, s12;
	s12 =	smax.u32 s0, $0x1;
	[dreg:$0x9] =	wrdreg s25  }
0x13: {  	v0 =	vand.u32 $0x7, v2;
	v2 =	vor.u32 $0x8, v2;
	v1 =	vmul.u32 $0x8, v1;
	s5 =	sadd.s32 $0x1700, s4;
	[dreg:$0xa] =	wrdreg s26;
	s26 =	simm.s32 $0xD080  }
.LBB2_1:
0x14: {  	s21 =	rddreg [dreg:$0x3];
	s4 =	simm.s32 $0x7  }
0x15: {  	[tilespmem:s2], [sflag:$0x7] =	stream.linear.gather [hbm4b:s21+s2], $0x80, $0x38;
	[tilespmem:$0x18080] =	vst v63  }
0x16: {  	_ =	swait.ge [sflag:s4], $0x80  }
0x17: {  	[sflag:s4] =	ssyncset.done $0x0  }
0x18: {  	s22 =	rddreg [dreg:$0xb];
	[sflag:s4] =	ssyncadd.s32 $0xFFFFFF80  }
0x19: {  	[tilespmem:s15], [sflag:$0x1] =	stream.linear.gather [hbm4b:s22+s2], $0x8000, $0x38;
	[tilespmem:$0x18080] =	vst v63  }
0x1a: {  	s0 =	simm.s32 $0x8080;
	s14 =	rddreg [dreg:$0x4]  }
0x1b: {  	[tilespmem:s0], [sflag:$0x2] =	stream.linear.gather [hbm4b:s14+s2], $0x8000, $0x38;
	[tilespmem:$0x18080] =	vst v63  }
0x1c: {  	s1 =	simm.s32 $0x10080;
	s16 =	rddreg [dreg:$0x5];
	s4 =	simm.s32 $0x1  }
0x1d: {  	[tilespmem:s1], [sflag:$0x3] =	stream.linear.gather [hbm4b:s16+s2], $0x8000, $0x38;
	[tilespmem:$0x18080] =	vst v63  }
0x1e: {  	_ =	swait.ge [sflag:s4], $0x8000  }
0x1f: {  	[sflag:s4] =	ssyncset.done $0x0  }
0x20: {  	[sflag:s4] =	ssyncadd.s32 $0xFFFF8000  }
0x21: {  	v3 =	vld [tilespmem:$0x0];
	_ =	sdelay $0x4  }
0x22: {  	v4 =	vshll.u32 v3, $0x4  }
0x23: {  	v3 =	vand.u32 $0x7, v3;
	v4 =	vand.u32 $0xFFFFFF80, v4  }
0x24: {  	v3 =	vor.u32 v3, v4  }
0x25: {  	v4 =	vperm.xlane v3, v0;
	_ =	sdelay $0x1  }
0x26: {  	v4 =	vadd.s32 v1, v4;
	_ =	sdelay $0x4  }
0x27: {  	[hbm4b:s3+s2] =	stream.indirect_vreg.scatter [tilespmem:s15], [sflag:$0x4], $0x80, v4, vm0, $0xb8;
	[tilespmem:$0x18080] =	vst v63  }
0x28: {  	s16 =	simm.s32 $0x880  }
0x29: {  	[hbm4b:s5+s2] =	stream.indirect_vreg.scatter [tilespmem:s16], [sflag:$0x4], $0x80, v4, vm0, $0xb8;
	[tilespmem:$0x18080] =	vst v63  }
0x2a: {  	s20 =	simm.s32 $0x1080  }
0x2b: {  	[hbm4b:s6+s2] =	stream.indirect_vreg.scatter [tilespmem:s20], [sflag:$0x4], $0x80, v4, vm0, $0xb8;
	[tilespmem:$0x18080] =	vst v63  }
0x2c: {  	s21 =	simm.s32 $0x1880  }
0x2d: {  	[hbm4b:s7+s2] =	stream.indirect_vreg.scatter [tilespmem:s21], [sflag:$0x4], $0x80, v4, vm0, $0xb8;
	[tilespmem:$0x18080] =	vst v63  }
0x2e: {  	s22 =	simm.s32 $0x2080  }
0x2f: {  	[hbm4b:s8+s2] =	stream.indirect_vreg.scatter [tilespmem:s22], [sflag:$0x4], $0x80, v4, vm0, $0xb8;
	[tilespmem:$0x18080] =	vst v63  }
0x30: {  	s23 =	simm.s32 $0x2880;
	v3 =	vperm.xlane v3, v2  }
0x31: {  	[hbm4b:s9+s2] =	stream.indirect_vreg.scatter [tilespmem:s23], [sflag:$0x4], $0x80, v4, vm0, $0xb8;
	[tilespmem:$0x18080] =	vst v63  }
0x32: {  	s24 =	simm.s32 $0x3080;
	v3 =	vadd.s32 v1, v3  }
0x33: {  	[hbm4b:s10+s2] =	stream.indirect_vreg.scatter [tilespmem:s24], [sflag:$0x4], $0x80, v4, vm0, $0xb8;
	[tilespmem:$0x18080] =	vst v63  }
0x34: {  	s25 =	simm.s32 $0x3880  }
0x35: {  	[hbm4b:s11+s2] =	stream.indirect_vreg.scatter [tilespmem:s25], [sflag:$0x4], $0x80, v4, vm0, $0xb8;
	[tilespmem:$0x18080] =	vst v63  }
0x36: {  	s1 =	simm.s32 $0x4080  }
0x37: {  	[hbm4b:s3+s2] =	stream.indirect_vreg.scatter [tilespmem:s1], [sflag:$0x4], $0x80, v3, vm0, $0xb8;
	[tilespmem:$0x18080] =	vst v63  }
0x38: {  	s14 =	simm.s32 $0x4880  }
0x39: {  	[hbm4b:s5+s2] =	stream.indirect_vreg.scatter [tilespmem:s14], [sflag:$0x4], $0x80, v3, vm0, $0xb8;
	[tilespmem:$0x18080] =	vst v63  }
0x3a: {  	s20 =	simm.s32 $0x5080  }
0x3b: {  	[hbm4b:s6+s2] =	stream.indirect_vreg.scatter [tilespmem:s20], [sflag:$0x4], $0x80, v3, vm0, $0xb8;
	[tilespmem:$0x18080] =	vst v63  }
0x3c: {  	s21 =	simm.s32 $0x5880  }
0x3d: {  	[hbm4b:s7+s2] =	stream.indirect_vreg.scatter [tilespmem:s21], [sflag:$0x4], $0x80, v3, vm0, $0xb8;
	[tilespmem:$0x18080] =	vst v63  }
0x3e: {  	s24 =	simm.s32 $0x6080  }
0x3f: {  	[hbm4b:s8+s2] =	stream.indirect_vreg.scatter [tilespmem:s24], [sflag:$0x4], $0x80, v3, vm0, $0xb8;
	[tilespmem:$0x18080] =	vst v63  }
0x40: {  	s25 =	simm.s32 $0x6880  }
0x41: {  	[hbm4b:s9+s2] =	stream.indirect_vreg.scatter [tilespmem:s25], [sflag:$0x4], $0x80, v3, vm0, $0xb8;
	[tilespmem:$0x18080] =	vst v63  }
0x42: {  	s1 =	simm.s32 $0x7080  }
0x43: {  	[hbm4b:s10+s2] =	stream.indirect_vreg.scatter [tilespmem:s1], [sflag:$0x4], $0x80, v3, vm0, $0xb8;
	[tilespmem:$0x18080] =	vst v63  }
0x44: {  	s14 =	simm.s32 $0x7880  }
0x45: {  	[hbm4b:s11+s2] =	stream.indirect_vreg.scatter [tilespmem:s14], [sflag:$0x4], $0x80, v3, vm0, $0xb8;
	[tilespmem:$0x18080] =	vst v63  }
0x46: {  	_ =	swait.ge [sflag:s19], $0x8000  }
0x47: {  	[sflag:s19] =	ssyncset.done $0x0  }
0x48: {  	s16 =	rddreg [dreg:$0x6];
	[sflag:s19] =	ssyncadd.s32 $0xFFFF8000  }
0x49: {  	[tilespmem:s15], [sflag:$0x1] =	stream.linear.gather [hbm4b:s16+s2], $0x8000, $0x38;
	[tilespmem:$0x18080] =	vst v63  }
0x4a: {  	_ =	swait.ge [sflag:s13], $0x8000  }
0x4b: {  	[sflag:s13] =	ssyncset.done $0x0  }
0x4c: {  	[sflag:s13] =	ssyncadd.s32 $0xFFFF8000  }
0x4d: {  	v3 =	vld [tilespmem:$0x10];
	_ =	sdelay $0x4  }
0x4e: {  	v57 =	vshll.u32 v3, $0x4  }
0x4f: {  	v3 =	vand.u32 $0x7, v3;
	v4 =	vand.u32 $0xFFFFFF80, v57  }
0x50: {  	v3 =	vor.u32 v3, v4  }
0x51: {  	v4 =	vperm.xlane v3, v0;
	_ =	sdelay $0x1  }
0x52: {  	v4 =	vadd.s32 v1, v4;
	_ =	sdelay $0x4  }
0x53: {  	[hbm4b:s3+s2] =	stream.indirect_vreg.scatter [tilespmem:s0], [sflag:$0x5], $0x80, v4, vm0, $0xb8;
	[tilespmem:$0x18080] =	vst v63  }
0x54: {  	s14 =	simm.s32 $0x8880  }
0x55: {  	[hbm4b:s5+s2] =	stream.indirect_vreg.scatter [tilespmem:s14], [sflag:$0x5], $0x80, v4, vm0, $0xb8;
	[tilespmem:$0x18080] =	vst v63  }
0x56: {  	s20 =	simm.s32 $0x9080  }
0x57: {  	[hbm4b:s6+s2] =	stream.indirect_vreg.scatter [tilespmem:s20], [sflag:$0x5], $0x80, v4, vm0, $0xb8;
	[tilespmem:$0x18080] =	vst v63  }
0x58: {  	s21 =	simm.s32 $0x9880  }
0x59: {  	[hbm4b:s7+s2] =	stream.indirect_vreg.scatter [tilespmem:s21], [sflag:$0x5], $0x80, v4, vm0, $0xb8;
	[tilespmem:$0x18080] =	vst v63  }
0x5a: {  	s24 =	simm.s32 $0xA080  }
0x5b: {  	[hbm4b:s8+s2] =	stream.indirect_vreg.scatter [tilespmem:s24], [sflag:$0x5], $0x80, v4, vm0, $0xb8;
	[tilespmem:$0x18080] =	vst v63  }
0x5c: {  	s25 =	simm.s32 $0xA880;
	v3 =	vperm.xlane v3, v2  }
0x5d: {  	[hbm4b:s9+s2] =	stream.indirect_vreg.scatter [tilespmem:s25], [sflag:$0x5], $0x80, v4, vm0, $0xb8;
	[tilespmem:$0x18080] =	vst v63  }
0x5e: {  	s1 =	simm.s32 $0xB080;
	v3 =	vadd.s32 v1, v3  }
0x5f: {  	[hbm4b:s10+s2] =	stream.indirect_vreg.scatter [tilespmem:s1], [sflag:$0x5], $0x80, v4, vm0, $0xb8;
	[tilespmem:$0x18080] =	vst v63  }
0x60: {  	s16 =	simm.s32 $0xB880  }
0x61: {  	[hbm4b:s11+s2] =	stream.indirect_vreg.scatter [tilespmem:s16], [sflag:$0x5], $0x80, v4, vm0, $0xb8;
	[tilespmem:$0x18080] =	vst v63  }
0x62: {  	s20 =	simm.s32 $0xC080  }
0x63: {  	[hbm4b:s3+s2] =	stream.indirect_vreg.scatter [tilespmem:s20], [sflag:$0x5], $0x80, v3, vm0, $0xb8;
	[tilespmem:$0x18080] =	vst v63  }
0x64: {  	s21 =	simm.s32 $0xC880  }
0x65: {  	[hbm4b:s5+s2] =	stream.indirect_vreg.scatter [tilespmem:s21], [sflag:$0x5], $0x80, v3, vm0, $0xb8;
	[tilespmem:$0x18080] =	vst v63  }
0x66: {  	s1 =	simm.s32 $0xD080  }
0x67: {  	[hbm4b:s6+s2] =	stream.indirect_vreg.scatter [tilespmem:s1], [sflag:$0x5], $0x80, v3, vm0, $0xb8;
	[tilespmem:$0x18080] =	vst v63  }
0x68: {  	s16 =	simm.s32 $0xD880  }
0x69: {  	[hbm4b:s7+s2] =	stream.indirect_vreg.scatter [tilespmem:s16], [sflag:$0x5], $0x80, v3, vm0, $0xb8;
	[tilespmem:$0x18080] =	vst v63  }
0x6a: {  	s20 =	simm.s32 $0xE080  }
0x6b: {  	[hbm4b:s8+s2] =	stream.indirect_vreg.scatter [tilespmem:s20], [sflag:$0x5], $0x80, v3, vm0, $0xb8;
	[tilespmem:$0x18080] =	vst v63  }
0x6c: {  	s21 =	simm.s32 $0xE880  }
0x6d: {  	[hbm4b:s9+s2] =	stream.indirect_vreg.scatter [tilespmem:s21], [sflag:$0x5], $0x80, v3, vm0, $0xb8;
	[tilespmem:$0x18080] =	vst v63  }
0x6e: {  	s1 =	simm.s32 $0xF080  }
0x6f: {  	[hbm4b:s10+s2] =	stream.indirect_vreg.scatter [tilespmem:s1], [sflag:$0x5], $0x80, v3, vm0, $0xb8;
	[tilespmem:$0x18080] =	vst v63  }
0x70: {  	s16 =	simm.s32 $0xF880  }
0x71: {  	[hbm4b:s11+s2] =	stream.indirect_vreg.scatter [tilespmem:s16], [sflag:$0x5], $0x80, v3, vm0, $0xb8;
	[tilespmem:$0x18080] =	vst v63  }
0x72: {  	_ =	swait.ge [sflag:s18], $0x8000  }
0x73: {  	[sflag:s18] =	ssyncset.done $0x0  }
0x74: {  	s20 =	rddreg [dreg:$0x7];
	[sflag:s18] =	ssyncadd.s32 $0xFFFF8000  }
0x75: {  	[tilespmem:s0], [sflag:$0x2] =	stream.linear.gather [hbm4b:s20+s2], $0x8000, $0x38;
	[tilespmem:$0x18080] =	vst v63  }
0x76: {  	s20 =	simm.s32 $0x3  }
0x77: {  	_ =	swait.ge [sflag:s20], $0x8000  }
0x78: {  	[sflag:s20] =	ssyncset.done $0x0  }
0x79: {  	[sflag:s20] =	ssyncadd.s32 $0xFFFF8000  }
0x7a: {  	v3 =	vld [tilespmem:$0x20];
	_ =	sdelay $0x4  }
0x7b: {  	v58 =	vshll.u32 v3, $0x4  }
0x7c: {  	v3 =	vand.u32 $0x7, v3;
	v4 =	vand.u32 $0xFFFFFF80, v58  }
0x7d: {  	v3 =	vor.u32 v3, v4  }
0x7e: {  	v4 =	vperm.xlane v3, v0;
	_ =	sdelay $0x1  }
0x7f: {  	v4 =	vadd.s32 v1, v4;
	_ =	sdelay $0x3  }
0x80: {  	s1 =	simm.s32 $0x10080  }
0x81: {  	[hbm4b:s3+s2] =	stream.indirect_vreg.scatter [tilespmem:s1], [sflag:$0x6], $0x80, v4, vm0, $0xb8;
	[tilespmem:$0x18080] =	vst v63  }
0x82: {  	s21 =	simm.s32 $0x10880  }
0x83: {  	[hbm4b:s5+s2] =	stream.indirect_vreg.scatter [tilespmem:s21], [sflag:$0x6], $0x80, v4, vm0, $0xb8;
	[tilespmem:$0x18080] =	vst v63  }
0x84: {  	s16 =	simm.s32 $0x11080  }
0x85: {  	[hbm4b:s6+s2] =	stream.indirect_vreg.scatter [tilespmem:s16], [sflag:$0x6], $0x80, v4, vm0, $0xb8;
	[tilespmem:$0x18080] =	vst v63  }
0x86: {  	s21 =	simm.s32 $0x11880  }
0x87: {  	[hbm4b:s7+s2] =	stream.indirect_vreg.scatter [tilespmem:s21], [sflag:$0x6], $0x80, v4, vm0, $0xb8;
	[tilespmem:$0x18080] =	vst v63  }
0x88: {  	s16 =	simm.s32 $0x12080  }
0x89: {  	[hbm4b:s8+s2] =	stream.indirect_vreg.scatter [tilespmem:s16], [sflag:$0x6], $0x80, v4, vm0, $0xb8;
	[tilespmem:$0x18080] =	vst v63  }
0x8a: {  	v3 =	vperm.xlane v3, v2;
	s21 =	simm.s32 $0x12880  }
0x8b: {  	[hbm4b:s9+s2] =	stream.indirect_vreg.scatter [tilespmem:s21], [sflag:$0x6], $0x80, v4, vm0, $0xb8;
	[tilespmem:$0x18080] =	vst v63  }
0x8c: {  	v3 =	vadd.s32 v1, v3;
	s16 =	simm.s32 $0x13080  }
0x8d: {  	[hbm4b:s10+s2] =	stream.indirect_vreg.scatter [tilespmem:s16], [sflag:$0x6], $0x80, v4, vm0, $0xb8;
	[tilespmem:$0x18080] =	vst v63  }
0x8e: {  	s21 =	simm.s32 $0x13880  }
0x8f: {  	[hbm4b:s11+s2] =	stream.indirect_vreg.scatter [tilespmem:s21], [sflag:$0x6], $0x80, v4, vm0, $0xb8;
	[tilespmem:$0x18080] =	vst v63  }
0x90: {  	s16 =	simm.s32 $0x14080  }
0x91: {  	[hbm4b:s3+s2] =	stream.indirect_vreg.scatter [tilespmem:s16], [sflag:$0x6], $0x80, v3, vm0, $0xb8;
	[tilespmem:$0x18080] =	vst v63  }
0x92: {  	s21 =	simm.s32 $0x14880  }
0x93: {  	[hbm4b:s5+s2] =	stream.indirect_vreg.scatter [tilespmem:s21], [sflag:$0x6], $0x80, v3, vm0, $0xb8;
	[tilespmem:$0x18080] =	vst v63  }
0x94: {  	s16 =	simm.s32 $0x15080  }
0x95: {  	[hbm4b:s6+s2] =	stream.indirect_vreg.scatter [tilespmem:s16], [sflag:$0x6], $0x80, v3, vm0, $0xb8;
	[tilespmem:$0x18080] =	vst v63  }
0x96: {  	s21 =	simm.s32 $0x15880  }
0x97: {  	[hbm4b:s7+s2] =	stream.indirect_vreg.scatter [tilespmem:s21], [sflag:$0x6], $0x80, v3, vm0, $0xb8;
	[tilespmem:$0x18080] =	vst v63  }
0x98: {  	s16 =	simm.s32 $0x16080  }
0x99: {  	[hbm4b:s8+s2] =	stream.indirect_vreg.scatter [tilespmem:s16], [sflag:$0x6], $0x80, v3, vm0, $0xb8;
	[tilespmem:$0x18080] =	vst v63  }
0x9a: {  	s21 =	simm.s32 $0x16880  }
0x9b: {  	[hbm4b:s9+s2] =	stream.indirect_vreg.scatter [tilespmem:s21], [sflag:$0x6], $0x80, v3, vm0, $0xb8;
	[tilespmem:$0x18080] =	vst v63  }
0x9c: {  	s16 =	simm.s32 $0x17080  }
0x9d: {  	[hbm4b:s10+s2] =	stream.indirect_vreg.scatter [tilespmem:s16], [sflag:$0x6], $0x80, v3, vm0, $0xb8;
	[tilespmem:$0x18080] =	vst v63  }
0x9e: {  	s21 =	simm.s32 $0x17880  }
0x9f: {  	[hbm4b:s11+s2] =	stream.indirect_vreg.scatter [tilespmem:s21], [sflag:$0x6], $0x80, v3, vm0, $0xb8;
	[tilespmem:$0x18080] =	vst v63  }
0xa0: {  	_ =	swait.ge [sflag:s17], $0x8000  }
0xa1: {  	[sflag:s17] =	ssyncset.done $0x0  }
0xa2: {  	s14 =	rddreg [dreg:$0x8];
	[sflag:s17] =	ssyncadd.s32 $0xFFFF8000  }
0xa3: {  	[tilespmem:s1], [sflag:$0x3] =	stream.linear.gather [hbm4b:s14+s2], $0x8000, $0x38;
	[tilespmem:$0x18080] =	vst v63  }
0xa4: {  	_ =	swait.ge [sflag:s4], $0x8000  }
0xa5: {  	[sflag:s4] =	ssyncset.done $0x0  }
0xa6: {  	[sflag:s4] =	ssyncadd.s32 $0xFFFF8000  }
0xa7: {  	v3 =	vld [tilespmem:$0x30];
	_ =	sdelay $0x4  }
0xa8: {  	v59 =	vshll.u32 v3, $0x4  }
0xa9: {  	v3 =	vand.u32 $0x7, v3;
	v4 =	vand.u32 $0xFFFFFF80, v59  }
0xaa: {  	v3 =	vor.u32 v3, v4  }
0xab: {  	v4 =	vperm.xlane v3, v0;
	_ =	sdelay $0x1  }
0xac: {  	v4 =	vadd.s32 v1, v4;
	_ =	sdelay $0x4  }
0xad: {  	[hbm4b:s3+s2] =	stream.indirect_vreg.scatter [tilespmem:s15], [sflag:$0x4], $0x80, v4, vm0, $0xb8;
	[tilespmem:$0x18080] =	vst v63  }
0xae: {  	s14 =	simm.s32 $0x880  }
0xaf: {  	[hbm4b:s5+s2] =	stream.indirect_vreg.scatter [tilespmem:s14], [sflag:$0x4], $0x80, v4, vm0, $0xb8;
	[tilespmem:$0x18080] =	vst v63  }
0xb0: {  	s16 =	simm.s32 $0x1080  }
0xb1: {  	[hbm4b:s6+s2] =	stream.indirect_vreg.scatter [tilespmem:s16], [sflag:$0x4], $0x80, v4, vm0, $0xb8;
	[tilespmem:$0x18080] =	vst v63  }
0xb2: {  	s21 =	simm.s32 $0x1880  }
0xb3: {  	[hbm4b:s7+s2] =	stream.indirect_vreg.scatter [tilespmem:s21], [sflag:$0x4], $0x80, v4, vm0, $0xb8;
	[tilespmem:$0x18080] =	vst v63  }
0xb4: {  	s22 =	simm.s32 $0x2080  }
0xb5: {  	[hbm4b:s8+s2] =	stream.indirect_vreg.scatter [tilespmem:s22], [sflag:$0x4], $0x80, v4, vm0, $0xb8;
	[tilespmem:$0x18080] =	vst v63  }
0xb6: {  	s23 =	simm.s32 $0x2880;
	v3 =	vperm.xlane v3, v2  }
0xb7: {  	[hbm4b:s9+s2] =	stream.indirect_vreg.scatter [tilespmem:s23], [sflag:$0x4], $0x80, v4, vm0, $0xb8;
	[tilespmem:$0x18080] =	vst v63  }
0xb8: {  	v3 =	vadd.s32 v1, v3;
	s23 =	simm.s32 $0x3080  }
0xb9: {  	[hbm4b:s10+s2] =	stream.indirect_vreg.scatter [tilespmem:s23], [sflag:$0x4], $0x80, v4, vm0, $0xb8;
	[tilespmem:$0x18080] =	vst v63  }
0xba: {  	s16 =	simm.s32 $0x3880  }
0xbb: {  	[hbm4b:s11+s2] =	stream.indirect_vreg.scatter [tilespmem:s16], [sflag:$0x4], $0x80, v4, vm0, $0xb8;
	[tilespmem:$0x18080] =	vst v63  }
0xbc: {  	s21 =	simm.s32 $0x4080  }
0xbd: {  	[hbm4b:s3+s2] =	stream.indirect_vreg.scatter [tilespmem:s21], [sflag:$0x4], $0x80, v3, vm0, $0xb8;
	[tilespmem:$0x18080] =	vst v63  }
0xbe: {  	s22 =	simm.s32 $0x4880  }
0xbf: {  	[hbm4b:s5+s2] =	stream.indirect_vreg.scatter [tilespmem:s22], [sflag:$0x4], $0x80, v3, vm0, $0xb8;
	[tilespmem:$0x18080] =	vst v63  }
0xc0: {  	s23 =	simm.s32 $0x5080  }
0xc1: {  	[hbm4b:s6+s2] =	stream.indirect_vreg.scatter [tilespmem:s23], [sflag:$0x4], $0x80, v3, vm0, $0xb8;
	[tilespmem:$0x18080] =	vst v63  }
0xc2: {  	s16 =	simm.s32 $0x5880  }
0xc3: {  	[hbm4b:s7+s2] =	stream.indirect_vreg.scatter [tilespmem:s16], [sflag:$0x4], $0x80, v3, vm0, $0xb8;
	[tilespmem:$0x18080] =	vst v63  }
0xc4: {  	s21 =	simm.s32 $0x6080  }
0xc5: {  	[hbm4b:s8+s2] =	stream.indirect_vreg.scatter [tilespmem:s21], [sflag:$0x4], $0x80, v3, vm0, $0xb8;
	[tilespmem:$0x18080] =	vst v63  }
0xc6: {  	s22 =	simm.s32 $0x6880  }
0xc7: {  	[hbm4b:s9+s2] =	stream.indirect_vreg.scatter [tilespmem:s22], [sflag:$0x4], $0x80, v3, vm0, $0xb8;
	[tilespmem:$0x18080] =	vst v63  }
0xc8: {  	s23 =	simm.s32 $0x7080  }
0xc9: {  	[hbm4b:s10+s2] =	stream.indirect_vreg.scatter [tilespmem:s23], [sflag:$0x4], $0x80, v3, vm0, $0xb8;
	[tilespmem:$0x18080] =	vst v63  }
0xca: {  	s16 =	simm.s32 $0x7880  }
0xcb: {  	[hbm4b:s11+s2] =	stream.indirect_vreg.scatter [tilespmem:s16], [sflag:$0x4], $0x80, v3, vm0, $0xb8;
	[tilespmem:$0x18080] =	vst v63  }
0xcc: {  	_ =	swait.ge [sflag:s19], $0x8000  }
0xcd: {  	[sflag:s19] =	ssyncset.done $0x0  }
0xce: {  	s22 =	rddreg [dreg:$0x9];
	[sflag:s19] =	ssyncadd.s32 $0xFFFF8000  }
0xcf: {  	[tilespmem:s15], [sflag:$0x1] =	stream.linear.gather [hbm4b:s22+s2], $0x8000, $0x38;
	[tilespmem:$0x18080] =	vst v63  }
0xd0: {  	_ =	swait.ge [sflag:s13], $0x8000  }
0xd1: {  	[sflag:s13] =	ssyncset.done $0x0  }
0xd2: {  	[sflag:s13] =	ssyncadd.s32 $0xFFFF8000  }
0xd3: {  	v3 =	vld [tilespmem:$0x40];
	_ =	sdelay $0x4  }
0xd4: {  	v60 =	vshll.u32 v3, $0x4  }
0xd5: {  	v3 =	vand.u32 $0x7, v3;
	v4 =	vand.u32 $0xFFFFFF80, v60  }
0xd6: {  	v3 =	vor.u32 v3, v4  }
0xd7: {  	v4 =	vperm.xlane v3, v0;
	_ =	sdelay $0x1  }
0xd8: {  	v4 =	vadd.s32 v1, v4;
	_ =	sdelay $0x4  }
0xd9: {  	[hbm4b:s3+s2] =	stream.indirect_vreg.scatter [tilespmem:s0], [sflag:$0x5], $0x80, v4, vm0, $0xb8;
	[tilespmem:$0x18080] =	vst v63  }
0xda: {  	s1 =	simm.s32 $0x8880  }
0xdb: {  	[hbm4b:s5+s2] =	stream.indirect_vreg.scatter [tilespmem:s1], [sflag:$0x5], $0x80, v4, vm0, $0xb8;
	[tilespmem:$0x18080] =	vst v63  }
0xdc: {  	s16 =	simm.s32 $0x9080  }
0xdd: {  	[hbm4b:s6+s2] =	stream.indirect_vreg.scatter [tilespmem:s16], [sflag:$0x5], $0x80, v4, vm0, $0xb8;
	[tilespmem:$0x18080] =	vst v63  }
0xde: {  	s23 =	simm.s32 $0x9880  }
0xdf: {  	[hbm4b:s7+s2] =	stream.indirect_vreg.scatter [tilespmem:s23], [sflag:$0x5], $0x80, v4, vm0, $0xb8;
	[tilespmem:$0x18080] =	vst v63  }
0xe0: {  	s24 =	simm.s32 $0xA080  }
0xe1: {  	[hbm4b:s8+s2] =	stream.indirect_vreg.scatter [tilespmem:s24], [sflag:$0x5], $0x80, v4, vm0, $0xb8;
	[tilespmem:$0x18080] =	vst v63  }
0xe2: {  	s25 =	simm.s32 $0xA880;
	v3 =	vperm.xlane v3, v2  }
0xe3: {  	[hbm4b:s9+s2] =	stream.indirect_vreg.scatter [tilespmem:s25], [sflag:$0x5], $0x80, v4, vm0, $0xb8;
	[tilespmem:$0x18080] =	vst v63  }
0xe4: {  	s22 =	simm.s32 $0xB080;
	v3 =	vadd.s32 v1, v3  }
0xe5: {  	[hbm4b:s10+s2] =	stream.indirect_vreg.scatter [tilespmem:s22], [sflag:$0x5], $0x80, v4, vm0, $0xb8;
	[tilespmem:$0x18080] =	vst v63  }
0xe6: {  	s23 =	simm.s32 $0xB880  }
0xe7: {  	[hbm4b:s11+s2] =	stream.indirect_vreg.scatter [tilespmem:s23], [sflag:$0x5], $0x80, v4, vm0, $0xb8;
	[tilespmem:$0x18080] =	vst v63  }
0xe8: {  	s24 =	simm.s32 $0xC080  }
0xe9: {  	[hbm4b:s3+s2] =	stream.indirect_vreg.scatter [tilespmem:s24], [sflag:$0x5], $0x80, v3, vm0, $0xb8;
	[tilespmem:$0x18080] =	vst v63  }
0xea: {  	s25 =	simm.s32 $0xC880  }
0xeb: {  	[hbm4b:s5+s2] =	stream.indirect_vreg.scatter [tilespmem:s25], [sflag:$0x5], $0x80, v3, vm0, $0xb8;
	[tilespmem:$0x18080] =	vst v63  }
0xec: {  	_ = 	snop  }
0xed: {  	[hbm4b:s6+s2] =	stream.indirect_vreg.scatter [tilespmem:s26], [sflag:$0x5], $0x80, v3, vm0, $0xb8;
	[tilespmem:$0x18080] =	vst v63  }
0xee: {  	_ = 	snop  }
0xef: {  	[hbm4b:s7+s2] =	stream.indirect_vreg.scatter [tilespmem:s28], [sflag:$0x5], $0x80, v3, vm0, $0xb8;
	[tilespmem:$0x18080] =	vst v63  }
0xf0: {  	_ = 	snop  }
0xf1: {  	[hbm4b:s8+s2] =	stream.indirect_vreg.scatter [tilespmem:s29], [sflag:$0x5], $0x80, v3, vm0, $0xb8;
	[tilespmem:$0x18080] =	vst v63  }
0xf2: {  	_ = 	snop  }
0xf3: {  	[hbm4b:s9+s2] =	stream.indirect_vreg.scatter [tilespmem:s30], [sflag:$0x5], $0x80, v3, vm0, $0xb8;
	[tilespmem:$0x18080] =	vst v63  }
0xf4: {  	_ = 	snop  }
0xf5: {  	[hbm4b:s10+s2] =	stream.indirect_vreg.scatter [tilespmem:s31], [sflag:$0x5], $0x80, v3, vm0, $0xb8;
	[tilespmem:$0x18080] =	vst v63  }
0xf6: {  	s21 =	simm.s32 $0xF880  }
0xf7: {  	[hbm4b:s11+s2] =	stream.indirect_vreg.scatter [tilespmem:s21], [sflag:$0x5], $0x80, v3, vm0, $0xb8;
	[tilespmem:$0x18080] =	vst v63  }
0xf8: {  	_ =	swait.ge [sflag:s18], $0x8000  }
0xf9: {  	[sflag:s18] =	ssyncset.done $0x0  }
0xfa: {  	s21 =	rddreg [dreg:$0xa];
	[sflag:s18] =	ssyncadd.s32 $0xFFFF8000  }
0xfb: {  	[tilespmem:s0], [sflag:$0x2] =	stream.linear.gather [hbm4b:s21+s2], $0x8000, $0x38;
	[tilespmem:$0x18080] =	vst v63  }
0xfc: {  	_ =	swait.ge [sflag:s20], $0x8000  }
0xfd: {  	[sflag:s20] =	ssyncset.done $0x0  }
0xfe: {  	[sflag:s20] =	ssyncadd.s32 $0xFFFF8000  }
0xff: {  	v3 =	vld [tilespmem:$0x50];
	_ =	sdelay $0x4  }
0x100: {  	v61 =	vshll.u32 v3, $0x4  }
0x101: {  	v3 =	vand.u32 $0x7, v3;
	v4 =	vand.u32 $0xFFFFFF80, v61  }
0x102: {  	v3 =	vor.u32 v3, v4  }
0x103: {  	v4 =	vperm.xlane v3, v0;
	_ =	sdelay $0x1  }
0x104: {  	v4 =	vadd.s32 v1, v4;
	_ =	sdelay $0x3  }
0x105: {  	s21 =	simm.s32 $0x10080  }
0x106: {  	[hbm4b:s3+s2] =	stream.indirect_vreg.scatter [tilespmem:s21], [sflag:$0x6], $0x80, v4, vm0, $0xb8;
	[tilespmem:$0x18080] =	vst v63  }
0x107: {  	s21 =	simm.s32 $0x10880  }
0x108: {  	[hbm4b:s5+s2] =	stream.indirect_vreg.scatter [tilespmem:s21], [sflag:$0x6], $0x80, v4, vm0, $0xb8;
	[tilespmem:$0x18080] =	vst v63  }
0x109: {  	s21 =	simm.s32 $0x11080  }
0x10a: {  	[hbm4b:s6+s2] =	stream.indirect_vreg.scatter [tilespmem:s21], [sflag:$0x6], $0x80, v4, vm0, $0xb8;
	[tilespmem:$0x18080] =	vst v63  }
0x10b: {  	s21 =	simm.s32 $0x11880  }
0x10c: {  	[hbm4b:s7+s2] =	stream.indirect_vreg.scatter [tilespmem:s21], [sflag:$0x6], $0x80, v4, vm0, $0xb8;
	[tilespmem:$0x18080] =	vst v63  }
0x10d: {  	s21 =	simm.s32 $0x12080  }
0x10e: {  	[hbm4b:s8+s2] =	stream.indirect_vreg.scatter [tilespmem:s21], [sflag:$0x6], $0x80, v4, vm0, $0xb8;
	[tilespmem:$0x18080] =	vst v63  }
0x10f: {  	v3 =	vperm.xlane v3, v2;
	s21 =	simm.s32 $0x12880  }
0x110: {  	[hbm4b:s9+s2] =	stream.indirect_vreg.scatter [tilespmem:s21], [sflag:$0x6], $0x80, v4, vm0, $0xb8;
	[tilespmem:$0x18080] =	vst v63  }
0x111: {  	v3 =	vadd.s32 v1, v3;
	s21 =	simm.s32 $0x13080  }
0x112: {  	[hbm4b:s10+s2] =	stream.indirect_vreg.scatter [tilespmem:s21], [sflag:$0x6], $0x80, v4, vm0, $0xb8;
	[tilespmem:$0x18080] =	vst v63  }
0x113: {  	s21 =	simm.s32 $0x13880  }
0x114: {  	[hbm4b:s11+s2] =	stream.indirect_vreg.scatter [tilespmem:s21], [sflag:$0x6], $0x80, v4, vm0, $0xb8;
	[tilespmem:$0x18080] =	vst v63  }
0x115: {  	s21 =	simm.s32 $0x14080  }
0x116: {  	[hbm4b:s3+s2] =	stream.indirect_vreg.scatter [tilespmem:s21], [sflag:$0x6], $0x80, v3, vm0, $0xb8;
	[tilespmem:$0x18080] =	vst v63  }
0x117: {  	s21 =	simm.s32 $0x14880  }
0x118: {  	[hbm4b:s5+s2] =	stream.indirect_vreg.scatter [tilespmem:s21], [sflag:$0x6], $0x80, v3, vm0, $0xb8;
	[tilespmem:$0x18080] =	vst v63  }
0x119: {  	s21 =	simm.s32 $0x15080  }
0x11a: {  	[hbm4b:s6+s2] =	stream.indirect_vreg.scatter [tilespmem:s21], [sflag:$0x6], $0x80, v3, vm0, $0xb8;
	[tilespmem:$0x18080] =	vst v63  }
0x11b: {  	s21 =	simm.s32 $0x15880  }
0x11c: {  	[hbm4b:s7+s2] =	stream.indirect_vreg.scatter [tilespmem:s21], [sflag:$0x6], $0x80, v3, vm0, $0xb8;
	[tilespmem:$0x18080] =	vst v63  }
0x11d: {  	s21 =	simm.s32 $0x16080  }
0x11e: {  	[hbm4b:s8+s2] =	stream.indirect_vreg.scatter [tilespmem:s21], [sflag:$0x6], $0x80, v3, vm0, $0xb8;
	[tilespmem:$0x18080] =	vst v63  }
0x11f: {  	s21 =	simm.s32 $0x16880  }
0x120: {  	[hbm4b:s9+s2] =	stream.indirect_vreg.scatter [tilespmem:s21], [sflag:$0x6], $0x80, v3, vm0, $0xb8;
	[tilespmem:$0x18080] =	vst v63  }
0x121: {  	s21 =	simm.s32 $0x17080  }
0x122: {  	[hbm4b:s10+s2] =	stream.indirect_vreg.scatter [tilespmem:s21], [sflag:$0x6], $0x80, v3, vm0, $0xb8;
	[tilespmem:$0x18080] =	vst v63  }
0x123: {  	s21 =	simm.s32 $0x17880  }
0x124: {  	[hbm4b:s11+s2] =	stream.indirect_vreg.scatter [tilespmem:s21], [sflag:$0x6], $0x80, v3, vm0, $0xb8;
	[tilespmem:$0x18080] =	vst v63  }
0x125: {  	_ =	swait.ge [sflag:s4], $0x8000  }
0x126: {  	[sflag:s4] =	ssyncset.done $0x0  }
0x127: {  	[sflag:s4] =	ssyncadd.s32 $0xFFFF8000  }
0x128: {  	v3 =	vld [tilespmem:$0x60];
	_ =	sdelay $0x4  }
0x129: {  	v62 =	vshll.u32 v3, $0x4  }
0x12a: {  	v3 =	vand.u32 $0x7, v3;
	v4 =	vand.u32 $0xFFFFFF80, v62  }
0x12b: {  	v3 =	vor.u32 v3, v4  }
0x12c: {  	v4 =	vperm.xlane v3, v0;
	_ =	sdelay $0x1  }
0x12d: {  	v4 =	vadd.s32 v1, v4;
	_ =	sdelay $0x4  }
0x12e: {  	[hbm4b:s3+s2] =	stream.indirect_vreg.scatter [tilespmem:s15], [sflag:$0x4], $0x80, v4, vm0, $0xb8;
	[tilespmem:$0x18080] =	vst v63  }
0x12f: {  	_ = 	snop  }
0x130: {  	[hbm4b:s5+s2] =	stream.indirect_vreg.scatter [tilespmem:s14], [sflag:$0x4], $0x80, v4, vm0, $0xb8;
	[tilespmem:$0x18080] =	vst v63  }
0x131: {  	s4 =	simm.s32 $0x1080  }
0x132: {  	[hbm4b:s6+s2] =	stream.indirect_vreg.scatter [tilespmem:s4], [sflag:$0x4], $0x80, v4, vm0, $0xb8;
	[tilespmem:$0x18080] =	vst v63  }
0x133: {  	s20 =	simm.s32 $0x1880  }
0x134: {  	[hbm4b:s7+s2] =	stream.indirect_vreg.scatter [tilespmem:s20], [sflag:$0x4], $0x80, v4, vm0, $0xb8;
	[tilespmem:$0x18080] =	vst v63  }
0x135: {  	s21 =	simm.s32 $0x2080  }
0x136: {  	[hbm4b:s8+s2] =	stream.indirect_vreg.scatter [tilespmem:s21], [sflag:$0x4], $0x80, v4, vm0, $0xb8;
	[tilespmem:$0x18080] =	vst v63  }
0x137: {  	v3 =	vperm.xlane v3, v2;
	s14 =	simm.s32 $0x2880  }
0x138: {  	[hbm4b:s9+s2] =	stream.indirect_vreg.scatter [tilespmem:s14], [sflag:$0x4], $0x80, v4, vm0, $0xb8;
	[tilespmem:$0x18080] =	vst v63  }
0x139: {  	v3 =	vadd.s32 v1, v3;
	s20 =	simm.s32 $0x3080  }
0x13a: {  	[hbm4b:s10+s2] =	stream.indirect_vreg.scatter [tilespmem:s20], [sflag:$0x4], $0x80, v4, vm0, $0xb8;
	[tilespmem:$0x18080] =	vst v63  }
0x13b: {  	s21 =	simm.s32 $0x3880  }
0x13c: {  	[hbm4b:s11+s2] =	stream.indirect_vreg.scatter [tilespmem:s21], [sflag:$0x4], $0x80, v4, vm0, $0xb8;
	[tilespmem:$0x18080] =	vst v63  }
0x13d: {  	s4 =	simm.s32 $0x4080  }
0x13e: {  	[hbm4b:s3+s2] =	stream.indirect_vreg.scatter [tilespmem:s4], [sflag:$0x4], $0x80, v3, vm0, $0xb8;
	[tilespmem:$0x18080] =	vst v63  }
0x13f: {  	s20 =	simm.s32 $0x4880  }
0x140: {  	[hbm4b:s5+s2] =	stream.indirect_vreg.scatter [tilespmem:s20], [sflag:$0x4], $0x80, v3, vm0, $0xb8;
	[tilespmem:$0x18080] =	vst v63  }
0x141: {  	s21 =	simm.s32 $0x5080  }
0x142: {  	[hbm4b:s6+s2] =	stream.indirect_vreg.scatter [tilespmem:s21], [sflag:$0x4], $0x80, v3, vm0, $0xb8;
	[tilespmem:$0x18080] =	vst v63  }
0x143: {  	s4 =	simm.s32 $0x5880  }
0x144: {  	[hbm4b:s7+s2] =	stream.indirect_vreg.scatter [tilespmem:s4], [sflag:$0x4], $0x80, v3, vm0, $0xb8;
	[tilespmem:$0x18080] =	vst v63  }
0x145: {  	s20 =	simm.s32 $0x6080  }
0x146: {  	[hbm4b:s8+s2] =	stream.indirect_vreg.scatter [tilespmem:s20], [sflag:$0x4], $0x80, v3, vm0, $0xb8;
	[tilespmem:$0x18080] =	vst v63  }
0x147: {  	s21 =	simm.s32 $0x6880  }
0x148: {  	[hbm4b:s9+s2] =	stream.indirect_vreg.scatter [tilespmem:s21], [sflag:$0x4], $0x80, v3, vm0, $0xb8;
	[tilespmem:$0x18080] =	vst v63  }
0x149: {  	s4 =	simm.s32 $0x7080  }
0x14a: {  	[hbm4b:s10+s2] =	stream.indirect_vreg.scatter [tilespmem:s4], [sflag:$0x4], $0x80, v3, vm0, $0xb8;
	[tilespmem:$0x18080] =	vst v63  }
0x14b: {  	s14 =	simm.s32 $0x7880  }
0x14c: {  	[hbm4b:s11+s2] =	stream.indirect_vreg.scatter [tilespmem:s14], [sflag:$0x4], $0x80, v3, vm0, $0xb8;
	[tilespmem:$0x18080] =	vst v63  }
0x14d: {  	_ =	swait.ge [sflag:s13], $0x8000  }
0x14e: {  	[sflag:s13] =	ssyncset.done $0x0  }
0x14f: {  	[sflag:s13] =	ssyncadd.s32 $0xFFFF8000  }
0x150: {  	v3 =	vld [tilespmem:$0x70];
	_ =	sdelay $0x4  }
0x151: {  	v63 =	vshll.u32 v3, $0x4  }
0x152: {  	v3 =	vand.u32 $0x7, v3;
	v4 =	vand.u32 $0xFFFFFF80, v63  }
0x153: {  	v3 =	vor.u32 v3, v4  }
0x154: {  	v4 =	vperm.xlane v3, v0;
	_ =	sdelay $0x1  }
0x155: {  	v4 =	vadd.s32 v1, v4;
	_ =	sdelay $0x4  }
0x156: {  	[hbm4b:s3+s2] =	stream.indirect_vreg.scatter [tilespmem:s0], [sflag:$0x5], $0x80, v4, vm0, $0xb8;
	[tilespmem:$0x18080] =	vst v63  }
0x157: {  	_ = 	snop  }
0x158: {  	[hbm4b:s5+s2] =	stream.indirect_vreg.scatter [tilespmem:s1], [sflag:$0x5], $0x80, v4, vm0, $0xb8;
	[tilespmem:$0x18080] =	vst v63  }
0x159: {  	_ = 	snop  }
0x15a: {  	[hbm4b:s6+s2] =	stream.indirect_vreg.scatter [tilespmem:s16], [sflag:$0x5], $0x80, v4, vm0, $0xb8;
	[tilespmem:$0x18080] =	vst v63  }
0x15b: {  	s16 =	simm.s32 $0x9880  }
0x15c: {  	[hbm4b:s7+s2] =	stream.indirect_vreg.scatter [tilespmem:s16], [sflag:$0x5], $0x80, v4, vm0, $0xb8;
	[tilespmem:$0x18080] =	vst v63  }
0x15d: {  	s20 =	simm.s32 $0xA080  }
0x15e: {  	[hbm4b:s8+s2] =	stream.indirect_vreg.scatter [tilespmem:s20], [sflag:$0x5], $0x80, v4, vm0, $0xb8;
	[tilespmem:$0x18080] =	vst v63  }
0x15f: {  	s21 =	simm.s32 $0xA880;
	v3 =	vperm.xlane v3, v2  }
0x160: {  	[hbm4b:s9+s2] =	stream.indirect_vreg.scatter [tilespmem:s21], [sflag:$0x5], $0x80, v4, vm0, $0xb8;
	[tilespmem:$0x18080] =	vst v63  }
0x161: {  	v3 =	vadd.s32 v1, v3  }
0x162: {  	[hbm4b:s10+s2] =	stream.indirect_vreg.scatter [tilespmem:s22], [sflag:$0x5], $0x80, v4, vm0, $0xb8;
	[tilespmem:$0x18080] =	vst v63  }
0x163: {  	_ = 	snop  }
0x164: {  	[hbm4b:s11+s2] =	stream.indirect_vreg.scatter [tilespmem:s23], [sflag:$0x5], $0x80, v4, vm0, $0xb8;
	[tilespmem:$0x18080] =	vst v63  }
0x165: {  	_ = 	snop  }
0x166: {  	[hbm4b:s3+s2] =	stream.indirect_vreg.scatter [tilespmem:s24], [sflag:$0x5], $0x80, v3, vm0, $0xb8;
	[tilespmem:$0x18080] =	vst v63  }
0x167: {  	_ = 	snop  }
0x168: {  	[hbm4b:s5+s2] =	stream.indirect_vreg.scatter [tilespmem:s25], [sflag:$0x5], $0x80, v3, vm0, $0xb8;
	[tilespmem:$0x18080] =	vst v63  }
0x169: {  	_ = 	snop  }
0x16a: {  	[hbm4b:s6+s2] =	stream.indirect_vreg.scatter [tilespmem:s26], [sflag:$0x5], $0x80, v3, vm0, $0xb8;
	[tilespmem:$0x18080] =	vst v63  }
0x16b: {  	_ = 	snop  }
0x16c: {  	[hbm4b:s7+s2] =	stream.indirect_vreg.scatter [tilespmem:s28], [sflag:$0x5], $0x80, v3, vm0, $0xb8;
	[tilespmem:$0x18080] =	vst v63  }
0x16d: {  	_ = 	snop  }
0x16e: {  	[hbm4b:s8+s2] =	stream.indirect_vreg.scatter [tilespmem:s29], [sflag:$0x5], $0x80, v3, vm0, $0xb8;
	[tilespmem:$0x18080] =	vst v63  }
0x16f: {  	_ = 	snop  }
0x170: {  	[hbm4b:s9+s2] =	stream.indirect_vreg.scatter [tilespmem:s30], [sflag:$0x5], $0x80, v3, vm0, $0xb8;
	[tilespmem:$0x18080] =	vst v63  }
0x171: {  	_ = 	snop  }
0x172: {  	[hbm4b:s10+s2] =	stream.indirect_vreg.scatter [tilespmem:s31], [sflag:$0x5], $0x80, v3, vm0, $0xb8;
	[tilespmem:$0x18080] =	vst v63  }
0x173: {  	s25 =	simm.s32 $0xF880  }
0x174: {  	[hbm4b:s11+s2] =	stream.indirect_vreg.scatter [tilespmem:s25], [sflag:$0x5], $0x80, v3, vm0, $0xb8;
	[tilespmem:$0x18080] =	vst v63  }
0x175: {  	_ =	swait.ge [sflag:s17], $0x8000  }
0x176: {  	[sflag:s17] =	ssyncset.done $0x0  }
0x177: {  	[sflag:s17] =	ssyncadd.s32 $0xFFFF8000  }
0x178: {  	p0 =	sne.s32 s12, $0x1;
	_ =	swait.ge [sflag:s19], $0x8000  }
.Ltmp0:
0x179: {  	[sflag:s19] =	ssyncset.done $0x0;
	(pc) =	sbr.rel @p0 .LBB2_1-.Ltmp0, $4  }
0x17a: {  	[sflag:s19] =	ssyncadd.s32 $0xFFFF8000  }
0x17b: {  	_ =	swait.ge [sflag:s18], $0x8000  }
0x17c: {  	[sflag:s18] =	ssyncset.done $0x0  }
0x17d: {  	s12 =	sadd.s32 $0xFFFFFFFF, s12;
	[sflag:s18] =	ssyncadd.s32 $0xFFFF8000  }
0x17e: {  	_ =	sfence.sel $0x180000  }
0x17f: {  	[bflag:$0x0] =	sbarrier.arrive $0xFFFF  }
0x180: {  	_ =	strace $0x90000047  }
0x181: {  	s0 =	stileid.u32;
	[bflag:$0x2] =	sbarrier.arrive $0xFFFF  }
0x182: {  	p0 =	sne.s32 s0, $0x0;
	s0 =	rddreg [dreg:$0x2]  }
0x183: {  	s0 =	sadd.s32 @!p0 $0x100000, s0  }
0x184: {  	[sflag:s0] =	ssyncadd.tile.s32 @!p0 $0x1;
	_ =	shalt  }
.Lfunc_end2:
_tile_overlayer_lowered:
.L_overlay_start_2:
0x185: {  	(tag) =	ssettag $0x2  }
0x186: {  	s0 =	rddreg [dreg:$0x0];
	s2 =	stileid.u32  }
0x187: {  	s1 =	rddreg [dreg:$0x1];
	p0 =	sne.s32 s2, $0x0  }
0x188: {  	s3 =	rddreg [dreg:$0x2];
	[bflag:$0x3] =	sbarrier.arrive $0xFFFF;
	s2 =	simm.s32 @!p0 $0x1C07  }
0x189: {  	[timem:s3], [sflag:s2] =	dma.local @!p0 [hbm:s0], s1  }
0x18a: {  	s0 =	simm.s32 @!p0 $0x7  }
0x18b: {  	_ =	swait.ge @!p0 [sflag:s0], s1  }
0x18c: {  	s1 =	ssub.s32 @!p0 $0x0, s1;
	[sflag:s0] =	ssyncset.done @!p0 $0x0  }
0x18d: {  	[sflag:s0] =	ssyncadd.s32 @!p0 s1  }
0x18e: {  	[bflag:$0x3] =	sbarrier.arrive $0xFFFF  }
0x18f: {  	_ =	shalt  }

// kernel: kernel.9.cloned.1.call-start
scs
__scs_entry_jumppad:
0x0: {  	(pc) =	sbr.rel $0x88, $3  }
0x1: {  	(tag) =	ssettag $0x0;
	lr =	simm.s32 $0x1  }
0x2: {  	[smem:$0x3F9A] =	sst lr;
	_ =	strace $0xD0000000  }
0x3: {  	_ = 	snop  }
0x4: {  	_ = 	snop  }
0x5: {  	_ = 	snop  }
0x6: {  	_ = 	snop  }
0x7: {  	_ = 	snop  }
__scs_overlays_trampoline_lowered:
0x8: {  	[smem:$0x3FA9] =	sst s0  }
0x9: {  	[smem:$0x3FAA] =	sst s1  }
0xa: {  	[smem:$0x3FAB] =	sst s2  }
0xb: {  	[smem:$0x3FAC] =	sst s3  }
0xc: {  	[smem:$0x3FAD] =	sst s4  }
0xd: {  	[smem:$0x3FAE] =	sst s5  }
0xe: {  	[smem:$0x3FAF] =	sst s6  }
0xf: {  	[smem:$0x3FB0] =	sst s7  }
0x10: {  	[smem:$0x3FB1] =	sst s8  }
0x11: {  	[smem:$0x3FB2] =	sst s9;
	s0 =	simm.s32 @!p0 $0x0  }
0x12: {  	s1 =	sld [smem:$0x3F98];
	s0 =	simm.s32 @p0 $0x1  }
0x13: {  	[smem:$0x3FB3] =	sst s0;
	s0 =	simm.s32 @!p1 $0x0  }
0x14: {  	s2 =	sld [smem:$0x3F97];
	s0 =	simm.s32 @p1 $0x1  }
0x15: {  	[smem:$0x3FB4] =	sst s0;
	s0 =	simm.s32 @!p2 $0x0  }
0x16: {  	s3 =	sld [smem:$0x3FDB];
	s0 =	simm.s32 @p2 $0x1  }
0x17: {  	s4 =	simm.s32 $0x1BF5;
	[smem:$0x3FB6] =	sst s0  }
0x18: {  	s0 =	sld [smem:$0x3F99];
	_ =	swait.ge [sflag:s4], $0x0  }
0x19: {  	s7 =	sld [smem:$0x3F9A]  }
0x1a: {  	s8 =	sadd.s32 $0xFFFFE003, lr  }
0x1b: {  	s9 =	sadd.s32 $0xFFFFFEF7, lr;
	s5 =	simm.s32 $0xFFFFFFFF;
	p2 =	slt.u32 s8, $0xFFFFF086  }
0x1c: {  	p1 =	slt.u32 s9, $0xF7A;
	s5 =	simm.s32 @!p2 $0x0  }
0x1d: {  	s5 =	simm.s32 @p1 $0x1;
	p0 =	seq.s32 s7, s2  }
0x1e: {  	s7 =	smul.u32 @!p0 $0xF7A, s2;
	p2 =	seq.s32 @!p0 s5, $0x0  }
0x1f: {  	s9 =	smul.u32 $0xF7A, s1;
	s8 =	simm.s32 @!p0 $0x1BF5;
	p2 =	por !p2, p0  }
0x20: {  	[sflag:s8] =	ssyncset.s32 @!p0 $0xFFFFF086;
	s6 =	sadd.s32 @!p0 s3, s7;
	s7 =	simm.s32 @!p0 $0x108  }
0x21: {  	s3 =	sadd.s32 s3, s9;
	s6 =	sadd.s32 @!p0 $0x88, s6;
	s7 =	simm.s32 @p2 $0x1082  }
0x22: {  	[simem:s7], [sflag:s8] =	dma.local @!p0 [hbm:s6], $0xF7A  }
0x23: {  	s9 =	sor.u32 $0xD0000000, s2;
	s6 =	simm.s32 $0x108;
	_ =	swait.ge @!p0 [sflag:s8], $0x0  }
0x24: {  	s3 =	sadd.s32 $0x88, s3;
	s6 =	simm.s32 @!p1 $0x1082;
	[sflag:s4] =	ssyncset.s32 $0xFFFFF086  }
0x25: {  	[simem:s6], [sflag:s4] =	dma.local [hbm:s3], $0xF7A  }
0x26: {  	[smem:$0x3F9A] =	sst s1;
	(tag) =	ssettag s2;
	_ =	strace s9  }
0x27: {  	s1 =	sld [smem:$0x3FAA]  }
0x28: {  	s2 =	sld [smem:$0x3FAB]  }
0x29: {  	s4 =	sld [smem:$0x3FAD]  }
0x2a: {  	p0 =	seq.s32 s5, $0x0;
	s5 =	sld [smem:$0x3FAE]  }
0x2b: {  	s6 =	sld [smem:$0x3FAF]  }
0x2c: {  	s7 =	sld [smem:$0x3FB0]  }
0x2d: {  	s3 =	simm.s32 $0x108;
	s8 =	sld [smem:$0x3FB1]  }
0x2e: {  	s3 =	simm.s32 @!p0 $0x1082;
	s9 =	sld [smem:$0x3FB2]  }
0x2f: {  	lr =	sadd.s32 s0, s3;
	s0 =	sld [smem:$0x3FA9]  }
0x30: {  	s3 =	sld [smem:$0x3FAC]  }
0x31: {  	[smem:$0x3FB5] =	sst s10  }
0x32: {  	s10 =	sld [smem:$0x3FB3];
	_ =	sdelay $0x3  }
0x33: {  	p0 =	seq.s32 s10, $0x1;
	s10 =	sld [smem:$0x3FB5];
	_ =	sdelay $0x3  }
0x34: {  	[smem:$0x3FB5] =	sst s10  }
0x35: {  	s10 =	sld [smem:$0x3FB4];
	_ =	sdelay $0x3  }
0x36: {  	p1 =	seq.s32 s10, $0x1;
	s10 =	sld [smem:$0x3FB5];
	_ =	sdelay $0x3  }
0x37: {  	[smem:$0x3FB5] =	sst s10  }
0x38: {  	s10 =	sld [smem:$0x3FB6]  }
0x39: {  	_ = 	snop;
	(pc) =	sbr.ind lr, $3  }
0x3a: {  	_ = 	snop  }
0x3b: {  	_ = 	snop  }
0x3c: {  	p2 =	seq.s32 s10, $0x1;
	s10 =	sld [smem:$0x3FB5]  }
0x3d: {  	_ =	shalt  }
0x3e: {  	_ =	shalt  }
0x3f: {  	_ =	shalt  }
0x40: {  	_ =	shalt  }
0x41: {  	_ =	shalt  }
0x42: {  	_ =	shalt  }
0x43: {  	_ =	shalt  }
0x44: {  	_ =	shalt  }
0x45: {  	_ =	shalt  }
0x46: {  	_ =	shalt  }
0x47: {  	_ =	shalt  }
0x48: {  	_ =	shalt  }
0x49: {  	_ =	shalt  }
0x4a: {  	_ =	shalt  }
0x4b: {  	_ =	shalt  }
0x4c: {  	_ =	shalt  }
0x4d: {  	_ =	shalt  }
0x4e: {  	_ =	shalt  }
0x4f: {  	_ =	shalt  }
0x50: {  	_ =	shalt  }
0x51: {  	_ =	shalt  }
0x52: {  	_ =	shalt  }
0x53: {  	_ =	shalt  }
0x54: {  	_ =	shalt  }
0x55: {  	_ =	shalt  }
0x56: {  	_ =	shalt  }
0x57: {  	_ =	shalt  }
0x58: {  	_ =	shalt  }
0x59: {  	_ =	shalt  }
0x5a: {  	_ =	shalt  }
0x5b: {  	_ =	shalt  }
0x5c: {  	_ =	shalt  }
0x5d: {  	_ =	shalt  }
0x5e: {  	_ =	shalt  }
0x5f: {  	_ =	shalt  }
0x60: {  	_ =	shalt  }
0x61: {  	_ =	shalt  }
0x62: {  	_ =	shalt  }
0x63: {  	_ =	shalt  }
0x64: {  	_ =	shalt  }
0x65: {  	_ =	shalt  }
0x66: {  	_ =	shalt  }
0x67: {  	_ =	shalt  }
0x68: {  	_ =	shalt  }
0x69: {  	_ =	shalt  }
0x6a: {  	_ =	shalt  }
0x6b: {  	_ =	shalt  }
0x6c: {  	_ =	shalt  }
0x6d: {  	_ =	shalt  }
0x6e: {  	_ =	shalt  }
0x6f: {  	_ =	shalt  }
0x70: {  	_ =	shalt  }
0x71: {  	_ =	shalt  }
0x72: {  	_ =	shalt  }
0x73: {  	_ =	shalt  }
0x74: {  	_ =	shalt  }
0x75: {  	_ =	shalt  }
0x76: {  	_ =	shalt  }
0x77: {  	_ =	shalt  }
0x78: {  	_ =	shalt  }
0x79: {  	_ =	shalt  }
0x7a: {  	_ =	shalt  }
0x7b: {  	_ =	shalt  }
0x7c: {  	_ =	shalt  }
0x7d: {  	_ =	shalt  }
0x7e: {  	_ =	shalt  }
0x7f: {  	_ =	shalt  }
0x80: {  	_ =	shalt  }
0x81: {  	_ =	shalt  }
0x82: {  	_ =	shalt  }
0x83: {  	_ =	shalt  }
0x84: {  	_ =	shalt  }
0x85: {  	_ =	shalt  }
0x86: {  	_ =	shalt  }
0x87: {  	_ =	shalt  }
.Lfunc_end0:
.L_simem_size_0:
called_computation.1_lowered:
.L_overlay_start_0:
0x88: {  	s2 =	sld [smem:$0x3FD9]  }
0x89: {  	s3 =	sld [smem:$0x3FFE];
	_ =	sdelay $0x1  }
0x8a: {  	s1 =	srdreg.scid  }
0x8b: {  	s0 =	sand.u32 $0x1, s1  }
0x8c: {  	s14 =	sshll.u32 s0, $0xA;
	s2 =	sadd.s32 s3, s2  }
0x8d: {  	s2 =	sadd.s32 s2, s14  }
0x8e: {  	[smem:$0x3FC1] =	sst s2  }
0x8f: {  	_ = 	snop  }
0x90: {  	s2 =	sld [smem:$0x3FD0];
	_ =	sdelay $0x2  }
0x91: {  	s15 =	simm.s32 $0xA;
	s4 =	simm.s32 $0x10  }
0x92: {  	[smem:s4], [sflag:s15] =	dma.local [hbm:s2], $0x1  }
0x93: {  	_ =	swait.eq [sflag:s15], $0x1  }
0x94: {  	[sflag:s15] =	ssyncset.done $0x0  }
0x95: {  	s16 =	sld [smem:$0x11];
	[sflag:s15] =	ssyncadd.s32 $0xFFFFFFFF  }
0x96: {  	s17 =	sld [smem:$0x12];
	(tm) =	ssettm $0x1  }
0x97: {  	s18 =	sld [smem:$0x3FFB];
	_ =	sdelay $0x3  }
0x98: {  	_ =	strace s18  }
0x99: {  	s4 =	sld [smem:$0x3FFC];
	_ =	sdelay $0x3  }
0x9a: {  	_ =	strace s4  }
0x9b: {  	s4 =	sld [smem:$0x3FFD];
	_ =	sdelay $0x3  }
0x9c: {  	_ =	strace s4  }
0x9d: {  	_ =	strace $0x8FFFFFFF  }
0x9e: {  	s19 =	sld [smem:$0x3FDB];
	_ =	sdelay $0x1  }
0x9f: {  	s5 =	simm.s32 $_scs_section_size  }
0xa0: {  	s6 =	simm.s32 $_size__tile_overlayer_lowered;
	s7 =	simm.s32 $_tile_overlayer_lowered  }
0xa1: {  	s22 =	simm.s32 $0x1BFF;
	s21 =	sshll.u32 s7, $0x1;
	s4 =	sadd.s32 s5, s19  }
0xa2: {  	s8 =	simm.s32 $0x0;
	s20 =	sshll.u32 s6, $0x1;
	s6 =	sadd.s32 s21, s4  }
0xa3: {  	[timem:s8], [sflag:s22] =	dma.local [hbm:s6], s20  }
0xa4: {  	_ =	swait.ge [sflag:s22], s20  }
0xa5: {  	s5 =	ssub.s32 $0x0, s20;
	[sflag:s22] =	ssyncset.done $0x0  }
0xa6: {  	[sflag:s22] =	ssyncadd.s32 s5;
	_ =	sdelay $0x1  }
0xa7: {  	s23 =	simm.s32 $0x1B8B  }
0xa8: {  	_ =	swait.ge [sflag:s23], $0x1  }
0xa9: {  	[sflag:s23] =	ssyncset.done $0x0  }
0xaa: {  	s25 =	simm.s32 $0x1B8E;
	s24 =	sld [smem:$0x3FFE];
	[sflag:s23] =	ssyncadd.s32 $0xFFFFFFFF  }
0xab: {  	s26 =	simm.s32 $execute0_lowered;
	[smem:$0x3FD2] =	sst s25  }
0xac: {  	s6 =	sshll.u32 s26, $0x1;
	_ =	strace $0x80000049;
	[dreg:$0x1] =	wrdreg $0xFFFFFFFF  }
0xad: {  	s28 =	simm.s32 $_size_execute0_lowered;
	s4 =	sadd.s32 s4, s6;
	[dreg:$0x0] =	wrdreg $0x0  }
0xae: {  	s6 =	sshll.u32 s28, $0x1;
	[dreg:$0x2] =	wrdreg s4  }
0xaf: {  	[dreg:$0x3] =	wrdreg s6  }
0xb0: {  	[dreg:$0x4] =	wrdreg $0xC0  }
0xb1: {  	_ =	task [dreg:s8], $0x5FFFF  }
0xb2: {  	[dreg:$0x1] =	wrdreg $0xFFFFFFFF  }
0xb3: {  	[dreg:$0x0] =	wrdreg $0x60  }
0xb4: {  	[dreg:$0x2] =	wrdreg s24  }
0xb5: {  	[dreg:$0x3] =	wrdreg s16  }
0xb6: {  	[dreg:$0x4] =	wrdreg s17  }
0xb7: {  	[dreg:$0x5] =	wrdreg $0x9  }
0xb8: {  	_ =	task.clear_ibuf [dreg:s8], $0x6FFFF;
	_ =	strace $0x90000049  }
0xb9: {  	s29 =	simm.s32 $0x9;
	_ =	strace $0x8000004B  }
0xba: {  	_ =	swait.ge [sflag:s29], $0x1  }
0xbb: {  	[sflag:s29] =	ssyncadd.s32 $0xFFFFFFFF  }
0xbc: {  	_ =	strace $0x9000004B  }
0xbd: {  	_ =	sfence  }
0xbe: {  	s30 =	sld [smem:$0x0];
	_ =	sdelay $0x2  }
0xbf: {  	s31 =	sshll.u32 s1, $0xD;
	s1 =	sshrl.u32 s1, $0x2  }
0xc0: {  	s3 =	sand.u32 $0x4000, s31;
	s1 =	sadd.s32 s1, s30  }
0xc1: {  	s0 =	sor.u32 s3, s0;
	s1 =	sshll.u32 s1, $0x11  }
0xc2: {  	s0 =	sor.u32 s1, s0  }
0xc3: {  	s0 =	sadd.s32 $0x8F2B, s0  }
0xc4: {  	[sflag:s0] =	ssyncadd.remote.s32 $0x1  }
0xc5: {  	_ =	sfence.sel $0xFFFF  }
0xc6: {  	[dreg:$0x0] =	wrdreg $0xFFFFFFFF;
	(pc) =	sbr.abs _section_cstart, $3  }
0xc7: {  	[dreg:$0x1] =	wrdreg $0xFFFFFFFF  }
0xc8: {  	_ =	task.clear_ibuf [dreg:s8], $0x2FFFF;
	_ =	strace $0x9FFFFFFF  }
0xc9: {  	(tm) =	ssettm $0x7FFFFFFF  }
tec
execute0_lowered:
.L_overlay_start_1:
0x0: {  	(tag) =	ssettag $0x1  }
0x1: {  	s4 =	rddreg [dreg:$0x0]  }
0x2: {  	s5 =	rddreg [dreg:$0x1]  }
0x3: {  	s6 =	rddreg [dreg:$0x2]  }
0x4: {  	s2 =	srdreg.scid;
	s0 =	rddreg [dreg:$0x3]  }
0x5: {  	s1 =	stileid.u32;
	s31 =	simm.s32 $0x480;
	s10 =	simm.s32 $0xC80  }
0x6: {  	s11 =	simm.s32 $0x1480;
	s12 =	simm.s32 $0x1C80;
	s13 =	simm.s32 $0x2480  }
0x7: {  	s14 =	simm.s32 $0x2C80;
	s7 =	sand.u32 $0x1, s2;
	s2 =	simm.s32 $0x0  }
0x8: {  	s15 =	simm.s32 $0x3480;
	s16 =	simm.s32 $0x3C80;
	[smem:$0x7FF] =	sst s2  }
0x9: {  	s17 =	simm.s32 $0x4480;
	_ =	strace $0x8000004A;
	[dreg:$0x6] =	wrdreg s31  }
0xa: {  	s18 =	simm.s32 $0x4C80;
	s19 =	simm.s32 $0x5480;
	[dreg:$0x7] =	wrdreg s10  }
0xb: {  	s20 =	simm.s32 $0x5C80;
	s21 =	simm.s32 $0x6480;
	[dreg:$0x8] =	wrdreg s11  }
0xc: {  	s22 =	simm.s32 $0x6C80;
	s23 =	simm.s32 $0x7480;
	[dreg:$0x9] =	wrdreg s12  }
0xd: {  	s25 =	simm.s32 $0x7C80;
	s24 =	simm.s32 $0x1;
	[dreg:$0xa] =	wrdreg s13  }
0xe: {  	s3 =	sshll.u32 s1, $0x8;
	s8 =	sshll.u32 s7, $0x7;
	[dreg:$0xb] =	wrdreg s14  }
0xf: {  	s7 =	ssub.s32 $0x2, s7;
	s8 =	sor.u32 s8, s3;
	[dreg:$0xc] =	wrdreg s15  }
0x10: {  	s3 =	sadd.s32 $0x1600, s4;
	s29 =	sshrl.u32 s7, $0x1;
	[dreg:$0xd] =	wrdreg s16  }
0x11: {  	s10 =	simm.s32 $0x1080;
	s11 =	simm.s32 $0x1880;
	[dreg:$0xe] =	wrdreg s17  }
0x12: {  	s12 =	simm.s32 $0x2080;
	s13 =	simm.s32 $0x2880;
	[dreg:$0xf] =	wrdreg s18  }
0x13: {  	s14 =	simm.s32 $0x3080;
	s15 =	simm.s32 $0x3880;
	[dreg:$0x10] =	wrdreg s19  }
0x14: {  	s16 =	simm.s32 $0x4080;
	s17 =	simm.s32 $0x4880;
	[dreg:$0x11] =	wrdreg s20  }
0x15: {  	s18 =	simm.s32 $0x5080;
	s19 =	simm.s32 $0x5880;
	[dreg:$0x12] =	wrdreg s21  }
0x16: {  	s20 =	simm.s32 $0x6080;
	s21 =	simm.s32 $0x6880;
	[dreg:$0x13] =	wrdreg s22  }
0x17: {  	s22 =	simm.s32 $0x7080;
	[dreg:$0x14] =	wrdreg s23;
	s9 =	sshrl.u32 s8, $0x3  }
0x18: {  	s23 =	simm.s32 $0x7880;
	[dreg:$0x15] =	wrdreg s25;
	s4 =	sadd.s32 s9, s4  }
0x19: {  	s8 =	sshll.u32 s8, $0x4;
	s7 =	ssub.s32 s7, s29;
	s4 =	sadd.s32 $0x1400, s4  }
0x1a: {  	v2 =	vlaneseq.u32;
	s9 =	simm.s32 $0x880;
	[dreg:$0x4] =	wrdreg s4;
	s4 =	sadd.s32 s5, s8  }
0x1b: {  	vm0 =	vmmov $0xffff;
	v1 =	vshrl.u32 v2, $0x3;
	s5 =	sadd.s32 s6, s8;
	s6 =	smax.u32 s7, $0x1;
	s30 =	sadd.s32 $0x80, s4  }
0x1c: {  	v0 =	vand.u32 $0x7, v2;
	v2 =	vor.u32 $0x8, v2;
	v1 =	vmul.u32 $0x8, v1;
	s7 =	simm.s32 $0x2;
	s8 =	simm.s32 $0x80;
	[dreg:$0x5] =	wrdreg s30  }
.LBB2_1:
0x1d: {  	s25 =	rddreg [dreg:$0x4]  }
0x1e: {  	[tilespmem:s2], [sflag:$0x2] =	stream.linear.gather [hbm4b:s25+s2], $0x80, $0x38;
	[tilespmem:$0x8080] =	vst v63  }
0x1f: {  	_ =	swait.ge [sflag:s7], $0x80  }
0x20: {  	[sflag:s7] =	ssyncset.done $0x0  }
0x21: {  	[sflag:s7] =	ssyncadd.s32 $0xFFFFFF80  }
0x22: {  	v3 =	vld [tilespmem:$0x0];
	_ =	sdelay $0x4  }
0x23: {  	v4 =	vshll.u32 v3, $0x1  }
0x24: {  	v3 =	vand.u32 $0x7, v3;
	v4 =	vand.u32 $0xFFFFFFF0, v4  }
0x25: {  	v3 =	vor.u32 v3, v4  }
0x26: {  	v4 =	vperm.xlane v3, v0;
	_ =	sdelay $0x1  }
0x27: {  	v3 =	vperm.xlane v3, v2;
	v4 =	vadd.s32 v1, v4;
	_ =	sdelay $0x1  }
0x28: {  	v3 =	vadd.s32 v1, v3;
	_ =	sdelay $0x2  }
0x29: {  	[tilespmem:s8], [sflag:$0x1] =	stream.indirect_vreg.gather [hbm4b:s3+s2], $0x80, v4, vm0, $0xb8;
	[tilespmem:$0x8080] =	vst v63  }
0x2a: {  	_ = 	snop  }
0x2b: {  	[tilespmem:s9], [sflag:$0x1] =	stream.indirect_vreg.gather [hbm4b:s3+s2], $0x80, v3, vm0, $0xb8;
	[tilespmem:$0x8080] =	vst v63  }
0x2c: {  	v3 =	vld [tilespmem:$0x10];
	_ =	sdelay $0x4  }
0x2d: {  	v57 =	vshll.u32 v3, $0x1  }
0x2e: {  	v3 =	vand.u32 $0x7, v3;
	v4 =	vand.u32 $0xFFFFFFF0, v57  }
0x2f: {  	v3 =	vor.u32 v3, v4  }
0x30: {  	v4 =	vperm.xlane v3, v0;
	_ =	sdelay $0x1  }
0x31: {  	v3 =	vperm.xlane v3, v2;
	v4 =	vadd.s32 v1, v4;
	_ =	sdelay $0x1  }
0x32: {  	v3 =	vadd.s32 v1, v3;
	_ =	sdelay $0x2  }
0x33: {  	[tilespmem:s10], [sflag:$0x1] =	stream.indirect_vreg.gather [hbm4b:s3+s2], $0x80, v4, vm0, $0xb8;
	[tilespmem:$0x8080] =	vst v63  }
0x34: {  	_ = 	snop  }
0x35: {  	[tilespmem:s11], [sflag:$0x1] =	stream.indirect_vreg.gather [hbm4b:s3+s2], $0x80, v3, vm0, $0xb8;
	[tilespmem:$0x8080] =	vst v63  }
0x36: {  	v3 =	vld [tilespmem:$0x20];
	_ =	sdelay $0x4  }
0x37: {  	v58 =	vshll.u32 v3, $0x1  }
0x38: {  	v3 =	vand.u32 $0x7, v3;
	v4 =	vand.u32 $0xFFFFFFF0, v58  }
0x39: {  	v3 =	vor.u32 v3, v4  }
0x3a: {  	v4 =	vperm.xlane v3, v0;
	_ =	sdelay $0x1  }
0x3b: {  	v3 =	vperm.xlane v3, v2;
	v4 =	vadd.s32 v1, v4;
	_ =	sdelay $0x1  }
0x3c: {  	v3 =	vadd.s32 v1, v3;
	_ =	sdelay $0x2  }
0x3d: {  	[tilespmem:s12], [sflag:$0x1] =	stream.indirect_vreg.gather [hbm4b:s3+s2], $0x80, v4, vm0, $0xb8;
	[tilespmem:$0x8080] =	vst v63  }
0x3e: {  	_ = 	snop  }
0x3f: {  	[tilespmem:s13], [sflag:$0x1] =	stream.indirect_vreg.gather [hbm4b:s3+s2], $0x80, v3, vm0, $0xb8;
	[tilespmem:$0x8080] =	vst v63  }
0x40: {  	v3 =	vld [tilespmem:$0x30];
	_ =	sdelay $0x4  }
0x41: {  	v59 =	vshll.u32 v3, $0x1  }
0x42: {  	v3 =	vand.u32 $0x7, v3;
	v4 =	vand.u32 $0xFFFFFFF0, v59  }
0x43: {  	v3 =	vor.u32 v3, v4  }
0x44: {  	v4 =	vperm.xlane v3, v0;
	_ =	sdelay $0x1  }
0x45: {  	v3 =	vperm.xlane v3, v2;
	v4 =	vadd.s32 v1, v4;
	_ =	sdelay $0x1  }
0x46: {  	v3 =	vadd.s32 v1, v3;
	_ =	sdelay $0x2  }
0x47: {  	[tilespmem:s14], [sflag:$0x1] =	stream.indirect_vreg.gather [hbm4b:s3+s2], $0x80, v4, vm0, $0xb8;
	[tilespmem:$0x8080] =	vst v63  }
0x48: {  	_ = 	snop  }
0x49: {  	[tilespmem:s15], [sflag:$0x1] =	stream.indirect_vreg.gather [hbm4b:s3+s2], $0x80, v3, vm0, $0xb8;
	[tilespmem:$0x8080] =	vst v63  }
0x4a: {  	v3 =	vld [tilespmem:$0x40];
	_ =	sdelay $0x4  }
0x4b: {  	v60 =	vshll.u32 v3, $0x1  }
0x4c: {  	v3 =	vand.u32 $0x7, v3;
	v4 =	vand.u32 $0xFFFFFFF0, v60  }
0x4d: {  	v3 =	vor.u32 v3, v4  }
0x4e: {  	v4 =	vperm.xlane v3, v0;
	_ =	sdelay $0x1  }
0x4f: {  	v3 =	vperm.xlane v3, v2;
	v4 =	vadd.s32 v1, v4;
	_ =	sdelay $0x1  }
0x50: {  	v3 =	vadd.s32 v1, v3;
	_ =	sdelay $0x2  }
0x51: {  	[tilespmem:s16], [sflag:$0x1] =	stream.indirect_vreg.gather [hbm4b:s3+s2], $0x80, v4, vm0, $0xb8;
	[tilespmem:$0x8080] =	vst v63  }
0x52: {  	_ = 	snop  }
0x53: {  	[tilespmem:s17], [sflag:$0x1] =	stream.indirect_vreg.gather [hbm4b:s3+s2], $0x80, v3, vm0, $0xb8;
	[tilespmem:$0x8080] =	vst v63  }
0x54: {  	v3 =	vld [tilespmem:$0x50];
	_ =	sdelay $0x4  }
0x55: {  	v61 =	vshll.u32 v3, $0x1  }
0x56: {  	v3 =	vand.u32 $0x7, v3;
	v4 =	vand.u32 $0xFFFFFFF0, v61  }
0x57: {  	v3 =	vor.u32 v3, v4  }
0x58: {  	v4 =	vperm.xlane v3, v0;
	_ =	sdelay $0x1  }
0x59: {  	v3 =	vperm.xlane v3, v2;
	v4 =	vadd.s32 v1, v4;
	_ =	sdelay $0x1  }
0x5a: {  	v3 =	vadd.s32 v1, v3;
	_ =	sdelay $0x2  }
0x5b: {  	[tilespmem:s18], [sflag:$0x1] =	stream.indirect_vreg.gather [hbm4b:s3+s2], $0x80, v4, vm0, $0xb8;
	[tilespmem:$0x8080] =	vst v63  }
0x5c: {  	_ = 	snop  }
0x5d: {  	[tilespmem:s19], [sflag:$0x1] =	stream.indirect_vreg.gather [hbm4b:s3+s2], $0x80, v3, vm0, $0xb8;
	[tilespmem:$0x8080] =	vst v63  }
0x5e: {  	v3 =	vld [tilespmem:$0x60];
	_ =	sdelay $0x4  }
0x5f: {  	v62 =	vshll.u32 v3, $0x1  }
0x60: {  	v3 =	vand.u32 $0x7, v3;
	v4 =	vand.u32 $0xFFFFFFF0, v62  }
0x61: {  	v3 =	vor.u32 v3, v4  }
0x62: {  	v4 =	vperm.xlane v3, v0;
	_ =	sdelay $0x1  }
0x63: {  	v3 =	vperm.xlane v3, v2;
	v4 =	vadd.s32 v1, v4;
	_ =	sdelay $0x1  }
0x64: {  	v3 =	vadd.s32 v1, v3;
	_ =	sdelay $0x2  }
0x65: {  	[tilespmem:s20], [sflag:$0x1] =	stream.indirect_vreg.gather [hbm4b:s3+s2], $0x80, v4, vm0, $0xb8;
	[tilespmem:$0x8080] =	vst v63  }
0x66: {  	_ = 	snop  }
0x67: {  	[tilespmem:s21], [sflag:$0x1] =	stream.indirect_vreg.gather [hbm4b:s3+s2], $0x80, v3, vm0, $0xb8;
	[tilespmem:$0x8080] =	vst v63  }
0x68: {  	v3 =	vld [tilespmem:$0x70];
	_ =	sdelay $0x4  }
0x69: {  	v63 =	vshll.u32 v3, $0x1  }
0x6a: {  	v3 =	vand.u32 $0x7, v3;
	v4 =	vand.u32 $0xFFFFFFF0, v63  }
0x6b: {  	v3 =	vor.u32 v3, v4  }
0x6c: {  	v4 =	vperm.xlane v3, v0;
	_ =	sdelay $0x1  }
0x6d: {  	v3 =	vperm.xlane v3, v2;
	v4 =	vadd.s32 v1, v4;
	_ =	sdelay $0x1  }
0x6e: {  	v3 =	vadd.s32 v1, v3;
	_ =	sdelay $0x2  }
0x6f: {  	[tilespmem:s22], [sflag:$0x1] =	stream.indirect_vreg.gather [hbm4b:s3+s2], $0x80, v4, vm0, $0xb8;
	[tilespmem:$0x8080] =	vst v63  }
0x70: {  	_ = 	snop  }
0x71: {  	[tilespmem:s23], [sflag:$0x1] =	stream.indirect_vreg.gather [hbm4b:s3+s2], $0x80, v3, vm0, $0xb8;
	[tilespmem:$0x8080] =	vst v63  }
0x72: {  	_ =	swait.ge [sflag:s24], $0x8000  }
0x73: {  	[sflag:s24] =	ssyncset.done $0x0  }
0x74: {  	[sflag:s24] =	ssyncadd.s32 $0xFFFF8000  }
0x75: {  	[hbm4b:s4+s2] =	stream.linear.scatter [tilespmem:s8], [sflag:$0x2], $0x400, $0x38;
	[tilespmem:$0x8080] =	vst v63  }
0x76: {  	s30 =	rddreg [dreg:$0x5]  }
0x77: {  	[hbm4b:s30+s2] =	stream.linear.scatter [tilespmem:s9], [sflag:$0x2], $0x400, $0x38;
	[tilespmem:$0x8080] =	vst v63  }
0x78: {  	s31 =	sadd.s32 $0x100, s4  }
0x79: {  	[hbm4b:s31+s2] =	stream.linear.scatter [tilespmem:s10], [sflag:$0x2], $0x400, $0x38;
	[tilespmem:$0x8080] =	vst v63  }
0x7a: {  	s26 =	sadd.s32 $0x180, s4  }
0x7b: {  	[hbm4b:s26+s2] =	stream.linear.scatter [tilespmem:s11], [sflag:$0x2], $0x400, $0x38;
	[tilespmem:$0x8080] =	vst v63  }
0x7c: {  	s28 =	sadd.s32 $0x200, s4  }
0x7d: {  	[hbm4b:s28+s2] =	stream.linear.scatter [tilespmem:s12], [sflag:$0x2], $0x400, $0x38;
	[tilespmem:$0x8080] =	vst v63  }
0x7e: {  	s29 =	sadd.s32 $0x280, s4  }
0x7f: {  	[hbm4b:s29+s2] =	stream.linear.scatter [tilespmem:s13], [sflag:$0x2], $0x400, $0x38;
	[tilespmem:$0x8080] =	vst v63  }
0x80: {  	s30 =	sadd.s32 $0x300, s4  }
0x81: {  	[hbm4b:s30+s2] =	stream.linear.scatter [tilespmem:s14], [sflag:$0x2], $0x400, $0x38;
	[tilespmem:$0x8080] =	vst v63  }
0x82: {  	s31 =	sadd.s32 $0x380, s4  }
0x83: {  	[hbm4b:s31+s2] =	stream.linear.scatter [tilespmem:s15], [sflag:$0x2], $0x400, $0x38;
	[tilespmem:$0x8080] =	vst v63  }
0x84: {  	s26 =	sadd.s32 $0x400, s4  }
0x85: {  	[hbm4b:s26+s2] =	stream.linear.scatter [tilespmem:s16], [sflag:$0x2], $0x400, $0x38;
	[tilespmem:$0x8080] =	vst v63  }
0x86: {  	s28 =	sadd.s32 $0x480, s4  }
0x87: {  	[hbm4b:s28+s2] =	stream.linear.scatter [tilespmem:s17], [sflag:$0x2], $0x400, $0x38;
	[tilespmem:$0x8080] =	vst v63  }
0x88: {  	s29 =	sadd.s32 $0x500, s4  }
0x89: {  	[hbm4b:s29+s2] =	stream.linear.scatter [tilespmem:s18], [sflag:$0x2], $0x400, $0x38;
	[tilespmem:$0x8080] =	vst v63  }
0x8a: {  	s30 =	sadd.s32 $0x580, s4  }
0x8b: {  	[hbm4b:s30+s2] =	stream.linear.scatter [tilespmem:s19], [sflag:$0x2], $0x400, $0x38;
	[tilespmem:$0x8080] =	vst v63  }
0x8c: {  	s31 =	sadd.s32 $0x600, s4  }
0x8d: {  	[hbm4b:s31+s2] =	stream.linear.scatter [tilespmem:s20], [sflag:$0x2], $0x400, $0x38;
	[tilespmem:$0x8080] =	vst v63  }
0x8e: {  	s26 =	sadd.s32 $0x680, s4  }
0x8f: {  	[hbm4b:s26+s2] =	stream.linear.scatter [tilespmem:s21], [sflag:$0x2], $0x400, $0x38;
	[tilespmem:$0x8080] =	vst v63  }
0x90: {  	s28 =	sadd.s32 $0x700, s4  }
0x91: {  	[hbm4b:s28+s2] =	stream.linear.scatter [tilespmem:s22], [sflag:$0x2], $0x400, $0x38;
	[tilespmem:$0x8080] =	vst v63  }
0x92: {  	s29 =	sadd.s32 $0x780, s4  }
0x93: {  	[hbm4b:s29+s2] =	stream.linear.scatter [tilespmem:s23], [sflag:$0x2], $0x400, $0x38;
	[tilespmem:$0x8080] =	vst v63  }
0x94: {  	_ =	swait.ge [sflag:s7], $0x4000  }
0x95: {  	[sflag:s7] =	ssyncset.done $0x0  }
0x96: {  	s30 =	rddreg [dreg:$0x6];
	[sflag:s7] =	ssyncadd.s32 $0xFFFFC000  }
0x97: {  	[hbm4b:s5+s2] =	stream.linear.scatter [tilespmem:s30], [sflag:$0x2], $0x400, $0x38;
	[tilespmem:$0x8080] =	vst v63  }
0x98: {  	s31 =	sadd.s32 $0x80, s5;
	s26 =	rddreg [dreg:$0x7]  }
0x99: {  	[hbm4b:s31+s2] =	stream.linear.scatter [tilespmem:s26], [sflag:$0x2], $0x400, $0x38;
	[tilespmem:$0x8080] =	vst v63  }
0x9a: {  	s28 =	rddreg [dreg:$0x8];
	s26 =	sadd.s32 $0x100, s5  }
0x9b: {  	[hbm4b:s26+s2] =	stream.linear.scatter [tilespmem:s28], [sflag:$0x2], $0x400, $0x38;
	[tilespmem:$0x8080] =	vst v63  }
0x9c: {  	s29 =	rddreg [dreg:$0x9];
	s30 =	sadd.s32 $0x180, s5  }
0x9d: {  	[hbm4b:s30+s2] =	stream.linear.scatter [tilespmem:s29], [sflag:$0x2], $0x400, $0x38;
	[tilespmem:$0x8080] =	vst v63  }
0x9e: {  	s31 =	rddreg [dreg:$0xa];
	s26 =	sadd.s32 $0x200, s5  }
0x9f: {  	[hbm4b:s26+s2] =	stream.linear.scatter [tilespmem:s31], [sflag:$0x2], $0x400, $0x38;
	[tilespmem:$0x8080] =	vst v63  }
0xa0: {  	s29 =	rddreg [dreg:$0xb];
	s30 =	sadd.s32 $0x280, s5  }
0xa1: {  	[hbm4b:s30+s2] =	stream.linear.scatter [tilespmem:s29], [sflag:$0x2], $0x400, $0x38;
	[tilespmem:$0x8080] =	vst v63  }
0xa2: {  	s31 =	rddreg [dreg:$0xc];
	s26 =	sadd.s32 $0x300, s5  }
0xa3: {  	[hbm4b:s26+s2] =	stream.linear.scatter [tilespmem:s31], [sflag:$0x2], $0x400, $0x38;
	[tilespmem:$0x8080] =	vst v63  }
0xa4: {  	s29 =	rddreg [dreg:$0xd];
	s30 =	sadd.s32 $0x380, s5  }
0xa5: {  	[hbm4b:s30+s2] =	stream.linear.scatter [tilespmem:s29], [sflag:$0x2], $0x400, $0x38;
	[tilespmem:$0x8080] =	vst v63  }
0xa6: {  	s31 =	rddreg [dreg:$0xe];
	s26 =	sadd.s32 $0x400, s5  }
0xa7: {  	[hbm4b:s26+s2] =	stream.linear.scatter [tilespmem:s31], [sflag:$0x2], $0x400, $0x38;
	[tilespmem:$0x8080] =	vst v63  }
0xa8: {  	s29 =	rddreg [dreg:$0xf];
	s30 =	sadd.s32 $0x480, s5  }
0xa9: {  	[hbm4b:s30+s2] =	stream.linear.scatter [tilespmem:s29], [sflag:$0x2], $0x400, $0x38;
	[tilespmem:$0x8080] =	vst v63  }
0xaa: {  	s31 =	rddreg [dreg:$0x10];
	s26 =	sadd.s32 $0x500, s5  }
0xab: {  	[hbm4b:s26+s2] =	stream.linear.scatter [tilespmem:s31], [sflag:$0x2], $0x400, $0x38;
	[tilespmem:$0x8080] =	vst v63  }
0xac: {  	s29 =	rddreg [dreg:$0x11];
	s30 =	sadd.s32 $0x580, s5  }
0xad: {  	[hbm4b:s30+s2] =	stream.linear.scatter [tilespmem:s29], [sflag:$0x2], $0x400, $0x38;
	[tilespmem:$0x8080] =	vst v63  }
0xae: {  	s31 =	rddreg [dreg:$0x12];
	s26 =	sadd.s32 $0x600, s5  }
0xaf: {  	[hbm4b:s26+s2] =	stream.linear.scatter [tilespmem:s31], [sflag:$0x2], $0x400, $0x38;
	[tilespmem:$0x8080] =	vst v63  }
0xb0: {  	s29 =	rddreg [dreg:$0x13];
	s30 =	sadd.s32 $0x680, s5  }
0xb1: {  	[hbm4b:s30+s2] =	stream.linear.scatter [tilespmem:s29], [sflag:$0x2], $0x400, $0x38;
	[tilespmem:$0x8080] =	vst v63  }
0xb2: {  	p0 =	sne.s32 s6, $0x1;
	s31 =	rddreg [dreg:$0x14];
	s29 =	sadd.s32 $0x700, s5  }
0xb3: {  	[hbm4b:s29+s2] =	stream.linear.scatter [tilespmem:s31], [sflag:$0x2], $0x400, $0x38;
	[tilespmem:$0x8080] =	vst v63  }
.Ltmp0:
0xb4: {  	s30 =	rddreg [dreg:$0x15];
	s31 =	sadd.s32 $0x780, s5;
	(pc) =	sbr.rel @p0 .LBB2_1-.Ltmp0, $4  }
0xb5: {  	[hbm4b:s31+s2] =	stream.linear.scatter [tilespmem:s30], [sflag:$0x2], $0x400, $0x38;
	[tilespmem:$0x8080] =	vst v63  }
0xb6: {  	_ =	swait.ge [sflag:s7], $0x4000  }
0xb7: {  	[sflag:s7] =	ssyncset.done $0x0  }
0xb8: {  	s6 =	sadd.s32 $0xFFFFFFFF, s6;
	[sflag:s7] =	ssyncadd.s32 $0xFFFFC000  }
0xb9: {  	_ =	sfence.sel $0x180000  }
0xba: {  	[bflag:$0x0] =	sbarrier.arrive $0xFFFF  }
0xbb: {  	p0 =	sne.s32 s1, $0x0;
	_ =	strace $0x9000004A  }
0xbc: {  	s0 =	sadd.s32 @!p0 $0x100000, s0;
	[bflag:$0x2] =	sbarrier.arrive $0xFFFF  }
0xbd: {  	[sflag:s0] =	ssyncadd.tile.s32 @!p0 $0x1;
	_ =	shalt  }
.Lfunc_end2:
_tile_overlayer_lowered:
.L_overlay_start_2:
0xbe: {  	(tag) =	ssettag $0x2  }
0xbf: {  	s0 =	rddreg [dreg:$0x0];
	s2 =	stileid.u32  }
0xc0: {  	s1 =	rddreg [dreg:$0x1];
	p0 =	sne.s32 s2, $0x0  }
0xc1: {  	s3 =	rddreg [dreg:$0x2];
	[bflag:$0x3] =	sbarrier.arrive $0xFFFF;
	s2 =	simm.s32 @!p0 $0x1C02  }
0xc2: {  	[timem:s3], [sflag:s2] =	dma.local @!p0 [hbm:s0], s1  }
0xc3: {  	s0 =	simm.s32 @!p0 $0x2  }
0xc4: {  	_ =	swait.ge @!p0 [sflag:s0], s1  }
0xc5: {  	s1 =	ssub.s32 @!p0 $0x0, s1;
	[sflag:s0] =	ssyncset.done @!p0 $0x0  }
0xc6: {  	[sflag:s0] =	ssyncadd.s32 @!p0 s1  }
0xc7: {  	[bflag:$0x3] =	sbarrier.arrive $0xFFFF  }
0xc8: {  	_ =	shalt  }

</sc_bundles>
